<compile_context>
chip_gen: v7x
topology: tpu7x:2x2x1
jax: 0.10.2.dev20260603
libtpu: 0.0.44.dev20260713+nightly
codegen_flags: <defaults>
</compile_context>

<pallas_src>
import functools
import math

import jax
import jax.numpy as jnp
from jax import lax
from jax.experimental import pallas as pl
from jax.experimental.pallas import tpu as pltpu
from jax.experimental.pallas import tpu_sc as plsc

_IMG_W = 1333.0
_IMG_H = 800.0
_SCORE_THRESH = 0.05
_NMS_THRESH = 0.5
_DETS = 100
_N = 20000
_C = 81
_CLIP = math.log(1000.0 / 16.0)

_R = 2048
_NPAD = 20480
_GRID_A = _NPAD // _R
_TILES = _NPAD // 128
_NW = 32
_BPW = _NPAD // _NW
_TAB = _N * _C * 4


def _phase_a(cl_ref, s_ref, lab_ref, i0_ref, i1_ref, i2_ref, i3_ref):
    i = pl.program_id(0)
    cl = cl_ref[...]
    mx = jnp.max(cl, axis=1, keepdims=True)
    lane = jax.lax.broadcasted_iota(jnp.int32, cl.shape, 1)
    lab = jnp.min(jnp.where(cl == mx, lane, _C), axis=1, keepdims=True)
    sumexp = jnp.sum(jnp.exp(cl - mx), axis=1, keepdims=True)
    score = 1.0 / sumexp
    row = i * _R + jax.lax.broadcasted_iota(jnp.int32, (_R, 1), 0)
    keep = (lab >= 1) & (score > _SCORE_THRESH) & (row < _N)
    s_ref[...] = jnp.where(keep, score, -1e10)
    lab_ref[...] = lab
    base = jnp.minimum(row * _C + lab, _N * _C - 1) * 4
    i0_ref[...] = base
    i1_ref[...] = base + 1
    i2_ref[...] = base + 2
    i3_ref[...] = base + 3


def _sc_gather(tab_ref, i0_ref, i1_ref, i2_ref, i3_ref,
               o0_ref, o1_ref, o2_ref, o3_ref,
               idx_v, row_v, sem):
    wid = lax.axis_index("s") * 2 + lax.axis_index("c")
    base = wid * _BPW
    for idx_hbm, out_hbm in ((i0_ref, o0_ref), (i1_ref, o1_ref),
                             (i2_ref, o2_ref), (i3_ref, o3_ref)):
        pltpu.sync_copy(idx_hbm.at[pl.ds(base, _BPW)], idx_v)
        pltpu.async_copy(tab_ref.at[idx_v], row_v, sem).wait()
        pltpu.sync_copy(row_v, out_hbm.at[pl.ds(base, _BPW)])


_sc_gather_call = functools.partial(
    pl.kernel,
    mesh=plsc.VectorSubcoreMesh(core_axis_name="c", subcore_axis_name="s"),
    out_type=[jax.ShapeDtypeStruct((_NPAD,), jnp.float32)] * 4,
    scratch_types=[
        pltpu.VMEM((_BPW,), jnp.int32),
        pltpu.VMEM((_BPW,), jnp.float32),
        pltpu.SemaphoreType.DMA,
    ],
)(_sc_gather)


def _phase_b(s_ref, lab_ref, dx_ref, dy_ref, dw_ref, dh_ref,
             px1_ref, py1_ref, px2_ref, py2_ref,
             os_ref, ol_ref, ox1_ref, oy1_ref, ox2_ref, oy2_ref,
             sc_ref):
    sc_ref[...] = s_ref[...]
    lab = lab_ref[...]

    dx = dx_ref[...] / 10.0
    dy = dy_ref[...] / 10.0
    dw = jnp.minimum(dw_ref[...] / 5.0, _CLIP)
    dh = jnp.minimum(dh_ref[...] / 5.0, _CLIP)
    px1 = px1_ref[...]
    py1 = py1_ref[...]
    w = px2_ref[...] - px1 + 1.0
    h = py2_ref[...] - py1 + 1.0
    pcx = dx * w + (px1 + 0.5 * w)
    pcy = dy * h + (py1 + 0.5 * h)
    pw = jnp.exp(dw) * w
    ph = jnp.exp(dh) * h
    x1 = jnp.clip(pcx - 0.5 * pw, 0.0, _IMG_W - 1.0)
    y1 = jnp.clip(pcy - 0.5 * ph, 0.0, _IMG_H - 1.0)
    x2 = jnp.clip(pcx + 0.5 * pw - 1.0, 0.0, _IMG_W - 1.0)
    y2 = jnp.clip(pcy + 0.5 * ph - 1.0, 0.0, _IMG_H - 1.0)

    areas = (x2 - x1 + 1.0) * (y2 - y1 + 1.0)
    fidx = (jax.lax.broadcasted_iota(jnp.int32, (_TILES, 128), 0) * 128
            + jax.lax.broadcasted_iota(jnp.int32, (_TILES, 128), 1))
    tio = (jax.lax.broadcasted_iota(jnp.int32, (8, 128), 0) * 128
           + jax.lax.broadcasted_iota(jnp.int32, (8, 128), 1))

    def body(t, carry):
        os_, ol_, obx1, oby1, obx2, oby2 = carry
        s = sc_ref[...]
        m = jnp.max(s)
        bidx = jnp.min(jnp.where(s == m, fidx, jnp.int32(1 << 30)))
        bsel = fidx == bidx
        bx1 = jnp.sum(jnp.where(bsel, x1, 0.0))
        by1 = jnp.sum(jnp.where(bsel, y1, 0.0))
        bx2 = jnp.sum(jnp.where(bsel, x2, 0.0))
        by2 = jnp.sum(jnp.where(bsel, y2, 0.0))
        blab = jnp.sum(jnp.where(bsel, lab, 0))
        a1 = (bx2 - bx1 + 1.0) * (by2 - by1 + 1.0)
        xx1 = jnp.maximum(bx1, x1)
        yy1 = jnp.maximum(by1, y1)
        xx2 = jnp.minimum(bx2, x2)
        yy2 = jnp.minimum(by2, y2)
        inter = (jnp.maximum(xx2 - xx1 + 1.0, 0.0)
                 * jnp.maximum(yy2 - yy1 + 1.0, 0.0))
        iou = inter / (a1 + areas - inter)
        sc_ref[...] = jnp.where((iou > _NMS_THRESH) | bsel, -1e10, s)
        v = m > 0.0
        vf = jnp.where(v, 1.0, 0.0)
        tsel = tio == t
        os_ = os_ + jnp.where(tsel, jnp.where(v, m, 0.0), 0.0)
        ol_ = ol_ + jnp.where(tsel, jnp.where(v, blab, 0), 0)
        obx1 = obx1 + jnp.where(tsel, bx1 * vf, 0.0)
        oby1 = oby1 + jnp.where(tsel, by1 * vf, 0.0)
        obx2 = obx2 + jnp.where(tsel, bx2 * vf, 0.0)
        oby2 = oby2 + jnp.where(tsel, by2 * vf, 0.0)
        return os_, ol_, obx1, oby1, obx2, oby2

    zf = jnp.zeros((8, 128), jnp.float32)
    zi = jnp.zeros((8, 128), jnp.int32)
    os_, ol_, obx1, oby1, obx2, oby2 = jax.lax.fori_loop(
        0, _DETS, body, (zf, zi, zf, zf, zf, zf))
    os_ref[...] = os_
    ol_ref[...] = ol_
    ox1_ref[...] = obx1
    oy1_ref[...] = oby1
    ox2_ref[...] = obx2
    oy2_ref[...] = oby2


def _run(class_logits, box_regression, proposal_boxes):
    f32 = jnp.float32
    i32 = jnp.int32
    s, lab, i0, i1, i2, i3 = pl.pallas_call(
        _phase_a,
        grid=(_GRID_A,),
        in_specs=[pl.BlockSpec((_R, _C), lambda i: (i, 0))],
        out_specs=[pl.BlockSpec((_R, 1), lambda i: (i, 0))] * 6,
        out_shape=[
            jax.ShapeDtypeStruct((_NPAD, 1), f32),
            jax.ShapeDtypeStruct((_NPAD, 1), i32),
            jax.ShapeDtypeStruct((_NPAD, 1), i32),
            jax.ShapeDtypeStruct((_NPAD, 1), i32),
            jax.ShapeDtypeStruct((_NPAD, 1), i32),
            jax.ShapeDtypeStruct((_NPAD, 1), i32),
        ],
    )(class_logits)

    dxr, dyr, dwr, dhr = _sc_gather_call(
        box_regression.reshape(-1),
        i0.reshape(-1), i1.reshape(-1), i2.reshape(-1), i3.reshape(-1))

    def col(a, c):
        return jnp.pad(a[:, c], (0, _NPAD - _N)).reshape(_TILES, 128)

    os_, ol_, ox1, oy1, ox2, oy2 = pl.pallas_call(
        _phase_b,
        out_shape=[
            jax.ShapeDtypeStruct((8, 128), f32),
            jax.ShapeDtypeStruct((8, 128), i32),
            jax.ShapeDtypeStruct((8, 128), f32),
            jax.ShapeDtypeStruct((8, 128), f32),
            jax.ShapeDtypeStruct((8, 128), f32),
            jax.ShapeDtypeStruct((8, 128), f32),
        ],
        scratch_shapes=[pltpu.VMEM((_TILES, 128), f32)],
    )(s.reshape(_TILES, 128), lab.reshape(_TILES, 128),
      dxr.reshape(_TILES, 128), dyr.reshape(_TILES, 128),
      dwr.reshape(_TILES, 128), dhr.reshape(_TILES, 128),
      col(proposal_boxes, 0), col(proposal_boxes, 1),
      col(proposal_boxes, 2), col(proposal_boxes, 3))

    scores = os_.reshape(-1)[:_DETS]
    labels = ol_.reshape(-1)[:_DETS]
    boxes = jnp.stack(
        [ox1.reshape(-1)[:_DETS], oy1.reshape(-1)[:_DETS],
         ox2.reshape(-1)[:_DETS], oy2.reshape(-1)[:_DETS]], axis=1)
    return boxes, scores, labels


_run_jit = jax.jit(_run)


def kernel(class_logits, box_regression, proposal_boxes):
    return _run_jit(class_logits, box_regression, proposal_boxes)

# --- scband reference (transcript-rebuilt; emitter-appended) ---
"""Pipeline reference for scband-post-processor-9045201125727 (READ-ONLY COPY).

The authoritative reference and input builder live on the scoring server;
editing this copy changes nothing except your own understanding.
"""

import jax, jax.numpy as jnp
import numpy as np
import math

IMG_W = 1333.0
IMG_H = 800.0
SCORE_THRESH = 0.05
NMS_THRESH = 0.5
DETS_PER_IMG = 100
N_PROP = 20000
N_CLS = 81
BBOX_XFORM_CLIP = math.log(1000.0 / 16.0)
WEIGHTS = (10.0, 10.0, 5.0, 5.0)


def setup_inputs(seed: int = 0):
    key = jax.random.key(seed)
    k1, k2, k3, k4, k5, k6 = jax.random.split(key, 6)
    class_logits = jax.random.normal(k1, (N_PROP, N_CLS), dtype=jnp.float32)
    box_regression = jax.random.normal(k2, (N_PROP, N_CLS * 4), dtype=jnp.float32)
    x1 = jax.random.uniform(k3, (N_PROP,), minval=0.0, maxval=IMG_W - 100.0)
    y1 = jax.random.uniform(k4, (N_PROP,), minval=0.0, maxval=IMG_H - 100.0)
    w = jax.random.uniform(k5, (N_PROP,), minval=8.0, maxval=256.0)
    h = jax.random.uniform(k6, (N_PROP,), minval=8.0, maxval=256.0)
    proposal_boxes = jnp.stack([x1, y1, x1 + w, y1 + h], axis=1).astype(jnp.float32)
    return {"class_logits": class_logits, "box_regression": box_regression, "proposal_boxes": proposal_boxes}


def _decode(box_regression, ref_boxes):
    # BoxCoder(weights=(10, 10, 5, 5)).decode, maskrcnn-benchmark style (TO_REMOVE = 1)
    wx, wy, ww, wh = WEIGHTS
    TO_REMOVE = 1.0
    widths = ref_boxes[:, 2] - ref_boxes[:, 0] + TO_REMOVE
    heights = ref_boxes[:, 3] - ref_boxes[:, 1] + TO_REMOVE
    ctr_x = ref_boxes[:, 0] + 0.5 * widths
    ctr_y = ref_boxes[:, 1] + 0.5 * heights
    dx = box_regression[:, 0::4] / wx
    dy = box_regression[:, 1::4] / wy
    dw = jnp.minimum(box_regression[:, 2::4] / ww, BBOX_XFORM_CLIP)
    dh = jnp.minimum(box_regression[:, 3::4] / wh, BBOX_XFORM_CLIP)
    pred_ctr_x = dx * widths[:, None] + ctr_x[:, None]
    pred_ctr_y = dy * heights[:, None] + ctr_y[:, None]
    pred_w = jnp.exp(dw) * widths[:, None]
    pred_h = jnp.exp(dh) * heights[:, None]
    x1 = pred_ctr_x - 0.5 * pred_w
    y1 = pred_ctr_y - 0.5 * pred_h
    x2 = pred_ctr_x + 0.5 * pred_w - 1.0
    y2 = pred_ctr_y + 0.5 * pred_h - 1.0
    return jnp.stack([x1, y1, x2, y2], axis=-1)  # [N, C, 4]


def _clip_to_image(boxes):
    x1 = jnp.clip(boxes[..., 0], 0.0, IMG_W - 1.0)
    y1 = jnp.clip(boxes[..., 1], 0.0, IMG_H - 1.0)
    x2 = jnp.clip(boxes[..., 2], 0.0, IMG_W - 1.0)
    y2 = jnp.clip(boxes[..., 3], 0.0, IMG_H - 1.0)
    return jnp.stack([x1, y1, x2, y2], axis=-1)


def _iou_one_vs_all(box, boxes):
    TO_REMOVE = 1.0
    area1 = (box[2] - box[0] + TO_REMOVE) * (box[3] - box[1] + TO_REMOVE)
    areas = (boxes[:, 2] - boxes[:, 0] + TO_REMOVE) * (boxes[:, 3] - boxes[:, 1] + TO_REMOVE)
    xx1 = jnp.maximum(box[0], boxes[:, 0])
    yy1 = jnp.maximum(box[1], boxes[:, 1])
    xx2 = jnp.minimum(box[2], boxes[:, 2])
    yy2 = jnp.minimum(box[3], boxes[:, 3])
    inter = jnp.maximum(xx2 - xx1 + TO_REMOVE, 0.0) * jnp.maximum(yy2 - yy1 + TO_REMOVE, 0.0)
    return inter / (area1 + areas - inter)


def _forward_core(class_logits, box_regression, proposal_boxes):
    N, C = class_logits.shape
    class_prob = jax.nn.softmax(class_logits, axis=-1)
    decoded = _decode(box_regression, proposal_boxes)  # [N, C, 4]
    decoded = _clip_to_image(decoded)
    # nms_per_cls = False path of filter_results: pick best class per proposal
    labels = jnp.argmax(class_prob, axis=-1)
    scores_on_label = jnp.take_along_axis(class_prob, labels[:, None], axis=1)[:, 0]
    boxes_on_label = jnp.take_along_axis(decoded, labels[:, None, None].repeat(1, axis=1), axis=1)[:, 0, :]
    keep = (labels >= 1) & (scores_on_label > SCORE_THRESH)
    masked = jnp.where(keep, scores_on_label, -1e10)

    def step(scores_cur, _):
        best = jnp.argmax(scores_cur)
        best_score = scores_cur[best]
        best_box = boxes_on_label[best]
        iou = _iou_one_vs_all(best_box, boxes_on_label)
        suppress = iou > NMS_THRESH
        new_scores = jnp.where(suppress, -1e10, scores_cur)
        new_scores = new_scores.at[best].set(-1e10)
        return new_scores, (best, best_score)

    # Greedy score-ordered NMS; first DETS_PER_IMG picks == full NMS + top-100 kthvalue filter
    _, (sel_idx, sel_scores) = jax.lax.scan(step, masked, None, length=DETS_PER_IMG)
    valid = sel_scores > 0.0
    out_scores = jnp.where(valid, sel_scores, 0.0)
    out_boxes = boxes_on_label[sel_idx] * valid[:, None].astype(jnp.float32)
    out_labels = jnp.where(valid, labels[sel_idx], 0)
    return out_boxes, out_scores, out_labels


def reference(class_logits, box_regression, proposal_boxes):
    return _forward_core(class_logits, box_regression, proposal_boxes)

if __name__ == "__main__":
    import jax
    _d = setup_inputs()
    print(jax.jit(kernel)(*tuple(_d.values())))

</pallas_src>

<mosaic_0001>
#map = affine_map<(d0, d1) -> (0)>
module attributes {stable_mosaic.version = 14 : i64} {
  func.func @_sc_gather(%arg0: i32, %arg1: i32, %arg2: memref<6480000xf32, #tpu.memory_space<hbm>>, %arg3: memref<20480xi32, #tpu.memory_space<hbm>>, %arg4: memref<20480xi32, #tpu.memory_space<hbm>>, %arg5: memref<20480xi32, #tpu.memory_space<hbm>>, %arg6: memref<20480xi32, #tpu.memory_space<hbm>>, %arg7: memref<20480xf32, #tpu.memory_space<hbm>>, %arg8: memref<20480xf32, #tpu.memory_space<hbm>>, %arg9: memref<20480xf32, #tpu.memory_space<hbm>>, %arg10: memref<20480xf32, #tpu.memory_space<hbm>>, %arg11: memref<640xi32, #tpu.memory_space<vmem>>, %arg12: memref<640xf32, #tpu.memory_space<vmem>>, %arg13: memref<!tpu.dma_semaphore, #tpu.memory_space<semaphore_mem>>) attributes {dimension_semantics = [#tpu.dimension_semantics<core_parallel>, #tpu.dimension_semantics<subcore_parallel>], iteration_bounds = array<i64: 2, 16>, scalar_prefetch = 0 : i64, scratch_operands = 3 : i64, tpu.core_type = #tpu.core_type<sc_vector_subcore>, window_params = [{transform_indices = #map}, {transform_indices = #map}, {transform_indices = #map}, {transform_indices = #map}, {transform_indices = #map}, {transform_indices = #map}, {transform_indices = #map}, {transform_indices = #map}, {transform_indices = #map}]} {
    %mul3A = arith.constant 2 : i32
    %mul3A_0 = arith.muli %arg1, %mul3A : i32
    %add3A = arith.addi %mul3A_0, %arg0 : i32
    %mul3A_1 = arith.constant 640 : i32
    %mul3A_2 = arith.muli %add3A, %mul3A_1 : i32
    "tpu.region"() ({
      %run_scoped3A = tpu.sem_alloc : memref<!tpu.dma_semaphore, #tpu.memory_space<semaphore_mem>>
      %dma_start3A_17 = tpu.memref_slice %arg3[%mul3A_2] : memref<20480xi32, #tpu.memory_space<hbm>> -> memref<640xi32, #tpu.memory_space<hbm>>
      %dma_start3A_18 = tpu.memref_slice %arg3[%mul3A_2] : memref<20480xi32, #tpu.memory_space<hbm>> -> memref<640xi32, #tpu.memory_space<hbm>>
      tpu.enqueue_dma source(%dma_start3A_18 : memref<640xi32, #tpu.memory_space<hbm>>) target(%arg11 : memref<640xi32, #tpu.memory_space<vmem>>) target_semaphore(%run_scoped3A : memref<!tpu.dma_semaphore, #tpu.memory_space<semaphore_mem>>)
      %dma_wait3A_19 = tpu.memref_slice %arg3[%mul3A_2] : memref<20480xi32, #tpu.memory_space<hbm>> -> memref<640xi32, #tpu.memory_space<hbm>>
      %dma_wait3A_20 = tpu.memref_slice %arg3[%mul3A_2] : memref<20480xi32, #tpu.memory_space<hbm>> -> memref<640xi32, #tpu.memory_space<hbm>>
      tpu.wait_dma2 semaphore(%run_scoped3A : memref<!tpu.dma_semaphore, #tpu.memory_space<semaphore_mem>>) src(%dma_wait3A_20 : memref<640xi32, #tpu.memory_space<hbm>>) dst(%arg11 : memref<640xi32, #tpu.memory_space<vmem>>)
      tpu.yield
    }) : () -> ()
    %dma_start3A = arith.constant 0 : i32
    %dma_start3A_3 = tpu.memref_slice %arg2[%dma_start3A] : memref<6480000xf32, #tpu.memory_space<hbm>> -> memref<6480000xf32, #tpu.memory_space<hbm>>
    tpu.enqueue_indirect_dma source(%dma_start3A_3 : memref<6480000xf32, #tpu.memory_space<hbm>>) target(%arg12 : memref<640xf32, #tpu.memory_space<vmem>>) offsets(%arg11 : memref<640xi32, #tpu.memory_space<vmem>>) semaphore(%arg13 : memref<!tpu.dma_semaphore, #tpu.memory_space<semaphore_mem>>)
    %dma_wait3A = arith.constant 0 : i32
    %dma_wait3A_4 = tpu.memref_slice %arg2[%dma_wait3A] : memref<6480000xf32, #tpu.memory_space<hbm>> -> memref<6480000xf32, #tpu.memory_space<hbm>>
    tpu.wait_indirect_dma semaphore(%arg13 : memref<!tpu.dma_semaphore, #tpu.memory_space<semaphore_mem>>) src(%dma_wait3A_4 : memref<6480000xf32, #tpu.memory_space<hbm>>) dst(%arg12 : memref<640xf32, #tpu.memory_space<vmem>>)
    "tpu.region"() ({
      %run_scoped3A = tpu.sem_alloc : memref<!tpu.dma_semaphore, #tpu.memory_space<semaphore_mem>>
      %dma_start3A_17 = tpu.memref_slice %arg7[%mul3A_2] : memref<20480xf32, #tpu.memory_space<hbm>> -> memref<640xf32, #tpu.memory_space<hbm>>
      %dma_start3A_18 = tpu.memref_slice %arg7[%mul3A_2] : memref<20480xf32, #tpu.memory_space<hbm>> -> memref<640xf32, #tpu.memory_space<hbm>>
      tpu.enqueue_dma source(%arg12 : memref<640xf32, #tpu.memory_space<vmem>>) target(%dma_start3A_18 : memref<640xf32, #tpu.memory_space<hbm>>) target_semaphore(%run_scoped3A : memref<!tpu.dma_semaphore, #tpu.memory_space<semaphore_mem>>)
      %dma_wait3A_19 = tpu.memref_slice %arg7[%mul3A_2] : memref<20480xf32, #tpu.memory_space<hbm>> -> memref<640xf32, #tpu.memory_space<hbm>>
      %dma_wait3A_20 = tpu.memref_slice %arg7[%mul3A_2] : memref<20480xf32, #tpu.memory_space<hbm>> -> memref<640xf32, #tpu.memory_space<hbm>>
      tpu.wait_dma2 semaphore(%run_scoped3A : memref<!tpu.dma_semaphore, #tpu.memory_space<semaphore_mem>>) src(%arg12 : memref<640xf32, #tpu.memory_space<vmem>>) dst(%dma_wait3A_20 : memref<640xf32, #tpu.memory_space<hbm>>)
      tpu.yield
    }) : () -> ()
    "tpu.region"() ({
      %run_scoped3A = tpu.sem_alloc : memref<!tpu.dma_semaphore, #tpu.memory_space<semaphore_mem>>
      %dma_start3A_17 = tpu.memref_slice %arg4[%mul3A_2] : memref<20480xi32, #tpu.memory_space<hbm>> -> memref<640xi32, #tpu.memory_space<hbm>>
      %dma_start3A_18 = tpu.memref_slice %arg4[%mul3A_2] : memref<20480xi32, #tpu.memory_space<hbm>> -> memref<640xi32, #tpu.memory_space<hbm>>
      tpu.enqueue_dma source(%dma_start3A_18 : memref<640xi32, #tpu.memory_space<hbm>>) target(%arg11 : memref<640xi32, #tpu.memory_space<vmem>>) target_semaphore(%run_scoped3A : memref<!tpu.dma_semaphore, #tpu.memory_space<semaphore_mem>>)
      %dma_wait3A_19 = tpu.memref_slice %arg4[%mul3A_2] : memref<20480xi32, #tpu.memory_space<hbm>> -> memref<640xi32, #tpu.memory_space<hbm>>
      %dma_wait3A_20 = tpu.memref_slice %arg4[%mul3A_2] : memref<20480xi32, #tpu.memory_space<hbm>> -> memref<640xi32, #tpu.memory_space<hbm>>
      tpu.wait_dma2 semaphore(%run_scoped3A : memref<!tpu.dma_semaphore, #tpu.memory_space<semaphore_mem>>) src(%dma_wait3A_20 : memref<640xi32, #tpu.memory_space<hbm>>) dst(%arg11 : memref<640xi32, #tpu.memory_space<vmem>>)
      tpu.yield
    }) : () -> ()
    %dma_start3A_5 = arith.constant 0 : i32
    %dma_start3A_6 = tpu.memref_slice %arg2[%dma_start3A_5] : memref<6480000xf32, #tpu.memory_space<hbm>> -> memref<6480000xf32, #tpu.memory_space<hbm>>
    tpu.enqueue_indirect_dma source(%dma_start3A_6 : memref<6480000xf32, #tpu.memory_space<hbm>>) target(%arg12 : memref<640xf32, #tpu.memory_space<vmem>>) offsets(%arg11 : memref<640xi32, #tpu.memory_space<vmem>>) semaphore(%arg13 : memref<!tpu.dma_semaphore, #tpu.memory_space<semaphore_mem>>)
    %dma_wait3A_7 = arith.constant 0 : i32
    %dma_wait3A_8 = tpu.memref_slice %arg2[%dma_wait3A_7] : memref<6480000xf32, #tpu.memory_space<hbm>> -> memref<6480000xf32, #tpu.memory_space<hbm>>
    tpu.wait_indirect_dma semaphore(%arg13 : memref<!tpu.dma_semaphore, #tpu.memory_space<semaphore_mem>>) src(%dma_wait3A_8 : memref<6480000xf32, #tpu.memory_space<hbm>>) dst(%arg12 : memref<640xf32, #tpu.memory_space<vmem>>)
    "tpu.region"() ({
      %run_scoped3A = tpu.sem_alloc : memref<!tpu.dma_semaphore, #tpu.memory_space<semaphore_mem>>
      %dma_start3A_17 = tpu.memref_slice %arg8[%mul3A_2] : memref<20480xf32, #tpu.memory_space<hbm>> -> memref<640xf32, #tpu.memory_space<hbm>>
      %dma_start3A_18 = tpu.memref_slice %arg8[%mul3A_2] : memref<20480xf32, #tpu.memory_space<hbm>> -> memref<640xf32, #tpu.memory_space<hbm>>
      tpu.enqueue_dma source(%arg12 : memref<640xf32, #tpu.memory_space<vmem>>) target(%dma_start3A_18 : memref<640xf32, #tpu.memory_space<hbm>>) target_semaphore(%run_scoped3A : memref<!tpu.dma_semaphore, #tpu.memory_space<semaphore_mem>>)
      %dma_wait3A_19 = tpu.memref_slice %arg8[%mul3A_2] : memref<20480xf32, #tpu.memory_space<hbm>> -> memref<640xf32, #tpu.memory_space<hbm>>
      %dma_wait3A_20 = tpu.memref_slice %arg8[%mul3A_2] : memref<20480xf32, #tpu.memory_space<hbm>> -> memref<640xf32, #tpu.memory_space<hbm>>
      tpu.wait_dma2 semaphore(%run_scoped3A : memref<!tpu.dma_semaphore, #tpu.memory_space<semaphore_mem>>) src(%arg12 : memref<640xf32, #tpu.memory_space<vmem>>) dst(%dma_wait3A_20 : memref<640xf32, #tpu.memory_space<hbm>>)
      tpu.yield
    }) : () -> ()
    "tpu.region"() ({
      %run_scoped3A = tpu.sem_alloc : memref<!tpu.dma_semaphore, #tpu.memory_space<semaphore_mem>>
      %dma_start3A_17 = tpu.memref_slice %arg5[%mul3A_2] : memref<20480xi32, #tpu.memory_space<hbm>> -> memref<640xi32, #tpu.memory_space<hbm>>
      %dma_start3A_18 = tpu.memref_slice %arg5[%mul3A_2] : memref<20480xi32, #tpu.memory_space<hbm>> -> memref<640xi32, #tpu.memory_space<hbm>>
      tpu.enqueue_dma source(%dma_start3A_18 : memref<640xi32, #tpu.memory_space<hbm>>) target(%arg11 : memref<640xi32, #tpu.memory_space<vmem>>) target_semaphore(%run_scoped3A : memref<!tpu.dma_semaphore, #tpu.memory_space<semaphore_mem>>)
      %dma_wait3A_19 = tpu.memref_slice %arg5[%mul3A_2] : memref<20480xi32, #tpu.memory_space<hbm>> -> memref<640xi32, #tpu.memory_space<hbm>>
      %dma_wait3A_20 = tpu.memref_slice %arg5[%mul3A_2] : memref<20480xi32, #tpu.memory_space<hbm>> -> memref<640xi32, #tpu.memory_space<hbm>>
      tpu.wait_dma2 semaphore(%run_scoped3A : memref<!tpu.dma_semaphore, #tpu.memory_space<semaphore_mem>>) src(%dma_wait3A_20 : memref<640xi32, #tpu.memory_space<hbm>>) dst(%arg11 : memref<640xi32, #tpu.memory_space<vmem>>)
      tpu.yield
    }) : () -> ()
    %dma_start3A_9 = arith.constant 0 : i32
    %dma_start3A_10 = tpu.memref_slice %arg2[%dma_start3A_9] : memref<6480000xf32, #tpu.memory_space<hbm>> -> memref<6480000xf32, #tpu.memory_space<hbm>>
    tpu.enqueue_indirect_dma source(%dma_start3A_10 : memref<6480000xf32, #tpu.memory_space<hbm>>) target(%arg12 : memref<640xf32, #tpu.memory_space<vmem>>) offsets(%arg11 : memref<640xi32, #tpu.memory_space<vmem>>) semaphore(%arg13 : memref<!tpu.dma_semaphore, #tpu.memory_space<semaphore_mem>>)
    %dma_wait3A_11 = arith.constant 0 : i32
    %dma_wait3A_12 = tpu.memref_slice %arg2[%dma_wait3A_11] : memref<6480000xf32, #tpu.memory_space<hbm>> -> memref<6480000xf32, #tpu.memory_space<hbm>>
    tpu.wait_indirect_dma semaphore(%arg13 : memref<!tpu.dma_semaphore, #tpu.memory_space<semaphore_mem>>) src(%dma_wait3A_12 : memref<6480000xf32, #tpu.memory_space<hbm>>) dst(%arg12 : memref<640xf32, #tpu.memory_space<vmem>>)
    "tpu.region"() ({
      %run_scoped3A = tpu.sem_alloc : memref<!tpu.dma_semaphore, #tpu.memory_space<semaphore_mem>>
      %dma_start3A_17 = tpu.memref_slice %arg9[%mul3A_2] : memref<20480xf32, #tpu.memory_space<hbm>> -> memref<640xf32, #tpu.memory_space<hbm>>
      %dma_start3A_18 = tpu.memref_slice %arg9[%mul3A_2] : memref<20480xf32, #tpu.memory_space<hbm>> -> memref<640xf32, #tpu.memory_space<hbm>>
      tpu.enqueue_dma source(%arg12 : memref<640xf32, #tpu.memory_space<vmem>>) target(%dma_start3A_18 : memref<640xf32, #tpu.memory_space<hbm>>) target_semaphore(%run_scoped3A : memref<!tpu.dma_semaphore, #tpu.memory_space<semaphore_mem>>)
      %dma_wait3A_19 = tpu.memref_slice %arg9[%mul3A_2] : memref<20480xf32, #tpu.memory_space<hbm>> -> memref<640xf32, #tpu.memory_space<hbm>>
      %dma_wait3A_20 = tpu.memref_slice %arg9[%mul3A_2] : memref<20480xf32, #tpu.memory_space<hbm>> -> memref<640xf32, #tpu.memory_space<hbm>>
      tpu.wait_dma2 semaphore(%run_scoped3A : memref<!tpu.dma_semaphore, #tpu.memory_space<semaphore_mem>>) src(%arg12 : memref<640xf32, #tpu.memory_space<vmem>>) dst(%dma_wait3A_20 : memref<640xf32, #tpu.memory_space<hbm>>)
      tpu.yield
    }) : () -> ()
    "tpu.region"() ({
      %run_scoped3A = tpu.sem_alloc : memref<!tpu.dma_semaphore, #tpu.memory_space<semaphore_mem>>
      %dma_start3A_17 = tpu.memref_slice %arg6[%mul3A_2] : memref<20480xi32, #tpu.memory_space<hbm>> -> memref<640xi32, #tpu.memory_space<hbm>>
      %dma_start3A_18 = tpu.memref_slice %arg6[%mul3A_2] : memref<20480xi32, #tpu.memory_space<hbm>> -> memref<640xi32, #tpu.memory_space<hbm>>
      tpu.enqueue_dma source(%dma_start3A_18 : memref<640xi32, #tpu.memory_space<hbm>>) target(%arg11 : memref<640xi32, #tpu.memory_space<vmem>>) target_semaphore(%run_scoped3A : memref<!tpu.dma_semaphore, #tpu.memory_space<semaphore_mem>>)
      %dma_wait3A_19 = tpu.memref_slice %arg6[%mul3A_2] : memref<20480xi32, #tpu.memory_space<hbm>> -> memref<640xi32, #tpu.memory_space<hbm>>
      %dma_wait3A_20 = tpu.memref_slice %arg6[%mul3A_2] : memref<20480xi32, #tpu.memory_space<hbm>> -> memref<640xi32, #tpu.memory_space<hbm>>
      tpu.wait_dma2 semaphore(%run_scoped3A : memref<!tpu.dma_semaphore, #tpu.memory_space<semaphore_mem>>) src(%dma_wait3A_20 : memref<640xi32, #tpu.memory_space<hbm>>) dst(%arg11 : memref<640xi32, #tpu.memory_space<vmem>>)
      tpu.yield
    }) : () -> ()
    %dma_start3A_13 = arith.constant 0 : i32
    %dma_start3A_14 = tpu.memref_slice %arg2[%dma_start3A_13] : memref<6480000xf32, #tpu.memory_space<hbm>> -> memref<6480000xf32, #tpu.memory_space<hbm>>
    tpu.enqueue_indirect_dma source(%dma_start3A_14 : memref<6480000xf32, #tpu.memory_space<hbm>>) target(%arg12 : memref<640xf32, #tpu.memory_space<vmem>>) offsets(%arg11 : memref<640xi32, #tpu.memory_space<vmem>>) semaphore(%arg13 : memref<!tpu.dma_semaphore, #tpu.memory_space<semaphore_mem>>)
    %dma_wait3A_15 = arith.constant 0 : i32
    %dma_wait3A_16 = tpu.memref_slice %arg2[%dma_wait3A_15] : memref<6480000xf32, #tpu.memory_space<hbm>> -> memref<6480000xf32, #tpu.memory_space<hbm>>
    tpu.wait_indirect_dma semaphore(%arg13 : memref<!tpu.dma_semaphore, #tpu.memory_space<semaphore_mem>>) src(%dma_wait3A_16 : memref<6480000xf32, #tpu.memory_space<hbm>>) dst(%arg12 : memref<640xf32, #tpu.memory_space<vmem>>)
    "tpu.region"() ({
      %run_scoped3A = tpu.sem_alloc : memref<!tpu.dma_semaphore, #tpu.memory_space<semaphore_mem>>
      %dma_start3A_17 = tpu.memref_slice %arg10[%mul3A_2] : memref<20480xf32, #tpu.memory_space<hbm>> -> memref<640xf32, #tpu.memory_space<hbm>>
      %dma_start3A_18 = tpu.memref_slice %arg10[%mul3A_2] : memref<20480xf32, #tpu.memory_space<hbm>> -> memref<640xf32, #tpu.memory_space<hbm>>
      tpu.enqueue_dma source(%arg12 : memref<640xf32, #tpu.memory_space<vmem>>) target(%dma_start3A_18 : memref<640xf32, #tpu.memory_space<hbm>>) target_semaphore(%run_scoped3A : memref<!tpu.dma_semaphore, #tpu.memory_space<semaphore_mem>>)
      %dma_wait3A_19 = tpu.memref_slice %arg10[%mul3A_2] : memref<20480xf32, #tpu.memory_space<hbm>> -> memref<640xf32, #tpu.memory_space<hbm>>
      %dma_wait3A_20 = tpu.memref_slice %arg10[%mul3A_2] : memref<20480xf32, #tpu.memory_space<hbm>> -> memref<640xf32, #tpu.memory_space<hbm>>
      tpu.wait_dma2 semaphore(%run_scoped3A : memref<!tpu.dma_semaphore, #tpu.memory_space<semaphore_mem>>) src(%arg12 : memref<640xf32, #tpu.memory_space<vmem>>) dst(%dma_wait3A_20 : memref<640xf32, #tpu.memory_space<hbm>>)
      tpu.yield
    }) : () -> ()
    return
  }
}

module attributes {stable_mosaic.version = 14 : i64} {
  func.func @_phase_a(%arg0: i32, %arg1: memref<2048x81xf32, #tpu.memory_space<vmem>>, %arg2: memref<2048x1xf32, #tpu.memory_space<vmem>>, %arg3: memref<2048x1xi32, #tpu.memory_space<vmem>>, %arg4: memref<2048x1xi32, #tpu.memory_space<vmem>>, %arg5: memref<2048x1xi32, #tpu.memory_space<vmem>>, %arg6: memref<2048x1xi32, #tpu.memory_space<vmem>>, %arg7: memref<2048x1xi32, #tpu.memory_space<vmem>>) attributes {dimension_semantics = [#tpu.dimension_semantics<arbitrary>], iteration_bounds = array<i64: 10>, scalar_prefetch = 0 : i64, scratch_operands = 0 : i64, tpu.core_type = #tpu.core_type<tc>, window_params = [{transform_indices = @transform_0, window_bounds = array<i64: 2048, 81>}, {transform_indices = @transform_1, window_bounds = array<i64: 2048, 1>}, {transform_indices = @transform_2, window_bounds = array<i64: 2048, 1>}, {transform_indices = @transform_3, window_bounds = array<i64: 2048, 1>}, {transform_indices = @transform_4, window_bounds = array<i64: 2048, 1>}, {transform_indices = @transform_5, window_bounds = array<i64: 2048, 1>}, {transform_indices = @transform_6, window_bounds = array<i64: 2048, 1>}]} {
    %get3A = arith.constant 0 : index
    %get3A_0 = arith.constant 0 : index
    %get3A_1 = vector.load %arg1[%get3A, %get3A_0] : memref<2048x81xf32, #tpu.memory_space<vmem>>, vector<2048x81xf32>
    %reduce_max3A = arith.constant dense<0xFF800000> : vector<2048xf32>
    %reduce_max3A_2 = vector.multi_reduction <maximumf>, %get3A_1, %reduce_max3A [1] : vector<2048x81xf32> to vector<2048xf32>
    %broadcast_in_dim3A = vector.shape_cast %reduce_max3A_2 : vector<2048xf32> to vector<2048x1xf32>
    %iota3A = tpu.iota {dimensions = array<i32: 1>} : vector<2048x81xi32>
    %eq3A = vector.broadcast %broadcast_in_dim3A : vector<2048x1xf32> to vector<2048x81xf32>
    %eq3A_3 = arith.cmpf oeq, %get3A_1, %eq3A : vector<2048x81xf32>
    %jit3A = arith.constant 81 : i32
    %broadcast_in_dim3A_4 = vector.broadcast %jit3A : i32 to vector<2048x81xi32>
    %select_n3A = arith.select %eq3A_3, %iota3A, %broadcast_in_dim3A_4 : vector<2048x81xi1>, vector<2048x81xi32>
    %reduce_min3A = arith.constant dense<2147483647> : vector<2048xi32>
    %reduce_min3A_5 = vector.multi_reduction <minsi>, %select_n3A, %reduce_min3A [1] : vector<2048x81xi32> to vector<2048xi32>
    %broadcast_in_dim3A_6 = vector.shape_cast %reduce_min3A_5 : vector<2048xi32> to vector<2048x1xi32>
    %sub3A = vector.broadcast %broadcast_in_dim3A : vector<2048x1xf32> to vector<2048x81xf32>
    %sub3A_7 = arith.subf %get3A_1, %sub3A : vector<2048x81xf32>
    %exp3A = math.exp %sub3A_7 : vector<2048x81xf32>
    %reduce_sum3A = arith.constant dense<0.000000e+00> : vector<2048xf32>
    %reduce_sum3A_8 = vector.multi_reduction <add>, %exp3A, %reduce_sum3A [1] : vector<2048x81xf32> to vector<2048xf32>
    %broadcast_in_dim3A_9 = vector.shape_cast %reduce_sum3A_8 : vector<2048xf32> to vector<2048x1xf32>
    %div3A = arith.constant 1.000000e+00 : f32
    %div3A_10 = vector.broadcast %div3A : f32 to vector<2048x1xf32>
    %div3A_11 = arith.divf %div3A_10, %broadcast_in_dim3A_9 : vector<2048x1xf32>
    %mul3A = arith.constant 2048 : i32
    %mul3A_12 = arith.muli %arg0, %mul3A : i32
    %iota3A_13 = tpu.iota {dimensions = array<i32: 0>} : vector<2048x1xi32>
    %add3A = vector.broadcast %mul3A_12 : i32 to vector<2048x1xi32>
    %add3A_14 = arith.addi %add3A, %iota3A_13 : vector<2048x1xi32>
    %ge3A = arith.constant 1 : i32
    %ge3A_15 = vector.broadcast %ge3A : i32 to vector<2048x1xi32>
    %ge3A_16 = arith.cmpi sge, %broadcast_in_dim3A_6, %ge3A_15 : vector<2048x1xi32>
    %gt3A = arith.constant 5.000000e-02 : f32
    %gt3A_17 = vector.broadcast %gt3A : f32 to vector<2048x1xf32>
    %gt3A_18 = arith.cmpf ogt, %div3A_11, %gt3A_17 : vector<2048x1xf32>
    %and3A = arith.andi %ge3A_16, %gt3A_18 : vector<2048x1xi1>
    %lt3A = arith.constant 20000 : i32
    %lt3A_19 = vector.broadcast %lt3A : i32 to vector<2048x1xi32>
    %lt3A_20 = arith.cmpi slt, %add3A_14, %lt3A_19 : vector<2048x1xi32>
    %and3A_21 = arith.andi %and3A, %lt3A_20 : vector<2048x1xi1>
    %jit3A_22 = arith.constant -1.000000e+10 : f32
    %broadcast_in_dim3A_23 = vector.broadcast %jit3A_22 : f32 to vector<2048x1xf32>
    %select_n3A_24 = arith.select %and3A_21, %div3A_11, %broadcast_in_dim3A_23 : vector<2048x1xi1>, vector<2048x1xf32>
    %swap3A = arith.constant 0 : index
    %swap3A_25 = arith.constant 0 : index
    %swap3A_26 = vector.load %arg2[%swap3A, %swap3A_25] : memref<2048x1xf32, #tpu.memory_space<vmem>>, vector<2048x1xf32>
    tpu.vector_store %arg2[%swap3A, %swap3A_25], %select_n3A_24 {strides = array<i32>} : memref<2048x1xf32, #tpu.memory_space<vmem>>, vector<2048x1xf32>,
    %swap3A_27 = arith.constant 0 : index
    %swap3A_28 = arith.constant 0 : index
    %swap3A_29 = vector.load %arg3[%swap3A_27, %swap3A_28] : memref<2048x1xi32, #tpu.memory_space<vmem>>, vector<2048x1xi32>
    tpu.vector_store %arg3[%swap3A_27, %swap3A_28], %broadcast_in_dim3A_6 {strides = array<i32>} : memref<2048x1xi32, #tpu.memory_space<vmem>>, vector<2048x1xi32>,
    %mul3A_30 = arith.constant 81 : i32
    %mul3A_31 = vector.broadcast %mul3A_30 : i32 to vector<2048x1xi32>
    %mul3A_32 = arith.muli %add3A_14, %mul3A_31 : vector<2048x1xi32>
    %add3A_33 = arith.addi %mul3A_32, %broadcast_in_dim3A_6 : vector<2048x1xi32>
    %min3A = arith.constant 1619999 : i32
    %min3A_34 = vector.broadcast %min3A : i32 to vector<2048x1xi32>
    %min3A_35 = arith.minsi %add3A_33, %min3A_34 : vector<2048x1xi32>
    %mul3A_36 = arith.constant 4 : i32
    %mul3A_37 = vector.broadcast %mul3A_36 : i32 to vector<2048x1xi32>
    %mul3A_38 = arith.muli %min3A_35, %mul3A_37 : vector<2048x1xi32>
    %swap3A_39 = arith.constant 0 : index
    %swap3A_40 = arith.constant 0 : index
    %swap3A_41 = vector.load %arg4[%swap3A_39, %swap3A_40] : memref<2048x1xi32, #tpu.memory_space<vmem>>, vector<2048x1xi32>
    tpu.vector_store %arg4[%swap3A_39, %swap3A_40], %mul3A_38 {strides = array<i32>} : memref<2048x1xi32, #tpu.memory_space<vmem>>, vector<2048x1xi32>,
    %add3A_42 = arith.constant 1 : i32
    %add3A_43 = vector.broadcast %add3A_42 : i32 to vector<2048x1xi32>
    %add3A_44 = arith.addi %mul3A_38, %add3A_43 : vector<2048x1xi32>
    %swap3A_45 = arith.constant 0 : index
    %swap3A_46 = arith.constant 0 : index
    %swap3A_47 = vector.load %arg5[%swap3A_45, %swap3A_46] : memref<2048x1xi32, #tpu.memory_space<vmem>>, vector<2048x1xi32>
    tpu.vector_store %arg5[%swap3A_45, %swap3A_46], %add3A_44 {strides = array<i32>} : memref<2048x1xi32, #tpu.memory_space<vmem>>, vector<2048x1xi32>,
    %add3A_48 = arith.constant 2 : i32
    %add3A_49 = vector.broadcast %add3A_48 : i32 to vector<2048x1xi32>
    %add3A_50 = arith.addi %mul3A_38, %add3A_49 : vector<2048x1xi32>
    %swap3A_51 = arith.constant 0 : index
    %swap3A_52 = arith.constant 0 : index
    %swap3A_53 = vector.load %arg6[%swap3A_51, %swap3A_52] : memref<2048x1xi32, #tpu.memory_space<vmem>>, vector<2048x1xi32>
    tpu.vector_store %arg6[%swap3A_51, %swap3A_52], %add3A_50 {strides = array<i32>} : memref<2048x1xi32, #tpu.memory_space<vmem>>, vector<2048x1xi32>,
    %add3A_54 = arith.constant 3 : i32
    %add3A_55 = vector.broadcast %add3A_54 : i32 to vector<2048x1xi32>
    %add3A_56 = arith.addi %mul3A_38, %add3A_55 : vector<2048x1xi32>
    %swap3A_57 = arith.constant 0 : index
    %swap3A_58 = arith.constant 0 : index
    %swap3A_59 = vector.load %arg7[%swap3A_57, %swap3A_58] : memref<2048x1xi32, #tpu.memory_space<vmem>>, vector<2048x1xi32>
    tpu.vector_store %arg7[%swap3A_57, %swap3A_58], %add3A_56 {strides = array<i32>} : memref<2048x1xi32, #tpu.memory_space<vmem>>, vector<2048x1xi32>,
    return
  }
  func.func @transform_0(%arg0: i32) -> (i32, i32) {
    %c0_i32 = arith.constant 0 : i32
    %c0_i32_0 = arith.constant 0 : i32
    return %arg0, %c0_i32 : i32, i32
  }
  func.func @transform_1(%arg0: i32) -> (i32, i32) {
    %c0_i32 = arith.constant 0 : i32
    %c0_i32_0 = arith.constant 0 : i32
    return %arg0, %c0_i32 : i32, i32
  }
  func.func @transform_2(%arg0: i32) -> (i32, i32) {
    %c0_i32 = arith.constant 0 : i32
    %c0_i32_0 = arith.constant 0 : i32
    return %arg0, %c0_i32 : i32, i32
  }
  func.func @transform_3(%arg0: i32) -> (i32, i32) {
    %c0_i32 = arith.constant 0 : i32
    %c0_i32_0 = arith.constant 0 : i32
    return %arg0, %c0_i32 : i32, i32
  }
  func.func @transform_4(%arg0: i32) -> (i32, i32) {
    %c0_i32 = arith.constant 0 : i32
    %c0_i32_0 = arith.constant 0 : i32
    return %arg0, %c0_i32 : i32, i32
  }
  func.func @transform_5(%arg0: i32) -> (i32, i32) {
    %c0_i32 = arith.constant 0 : i32
    %c0_i32_0 = arith.constant 0 : i32
    return %arg0, %c0_i32 : i32, i32
  }
  func.func @transform_6(%arg0: i32) -> (i32, i32) {
    %c0_i32 = arith.constant 0 : i32
    %c0_i32_0 = arith.constant 0 : i32
    return %arg0, %c0_i32 : i32, i32
  }
}

module attributes {stable_mosaic.version = 14 : i64} {
  func.func @_phase_b(%arg0: memref<160x128xf32, #tpu.memory_space<vmem>>, %arg1: memref<160x128xi32, #tpu.memory_space<vmem>>, %arg2: memref<160x128xf32, #tpu.memory_space<vmem>>, %arg3: memref<160x128xf32, #tpu.memory_space<vmem>>, %arg4: memref<160x128xf32, #tpu.memory_space<vmem>>, %arg5: memref<160x128xf32, #tpu.memory_space<vmem>>, %arg6: memref<160x128xf32, #tpu.memory_space<vmem>>, %arg7: memref<160x128xf32, #tpu.memory_space<vmem>>, %arg8: memref<160x128xf32, #tpu.memory_space<vmem>>, %arg9: memref<160x128xf32, #tpu.memory_space<vmem>>, %arg10: memref<8x128xf32, #tpu.memory_space<vmem>>, %arg11: memref<8x128xi32, #tpu.memory_space<vmem>>, %arg12: memref<8x128xf32, #tpu.memory_space<vmem>>, %arg13: memref<8x128xf32, #tpu.memory_space<vmem>>, %arg14: memref<8x128xf32, #tpu.memory_space<vmem>>, %arg15: memref<8x128xf32, #tpu.memory_space<vmem>>, %arg16: memref<160x128xf32, #tpu.memory_space<vmem>>) attributes {dimension_semantics = [], scalar_prefetch = 0 : i64, scratch_operands = 1 : i64, tpu.core_type = #tpu.core_type<tc>} {
    %get3A = arith.constant 0 : index
    %get3A_0 = arith.constant 0 : index
    %get3A_1 = vector.load %arg0[%get3A, %get3A_0] : memref<160x128xf32, #tpu.memory_space<vmem>>, vector<160x128xf32>
    %swap3A = arith.constant 0 : index
    %swap3A_2 = arith.constant 0 : index
    %swap3A_3 = vector.load %arg16[%swap3A, %swap3A_2] : memref<160x128xf32, #tpu.memory_space<vmem>>, vector<160x128xf32>
    tpu.vector_store %arg16[%swap3A, %swap3A_2], %get3A_1 {strides = array<i32>} : memref<160x128xf32, #tpu.memory_space<vmem>>, vector<160x128xf32>,
    %get3A_4 = arith.constant 0 : index
    %get3A_5 = arith.constant 0 : index
    %get3A_6 = vector.load %arg1[%get3A_4, %get3A_5] : memref<160x128xi32, #tpu.memory_space<vmem>>, vector<160x128xi32>
    %get3A_7 = arith.constant 0 : index
    %get3A_8 = arith.constant 0 : index
    %get3A_9 = vector.load %arg2[%get3A_7, %get3A_8] : memref<160x128xf32, #tpu.memory_space<vmem>>, vector<160x128xf32>
    %div3A = arith.constant 1.000000e+01 : f32
    %div3A_10 = vector.broadcast %div3A : f32 to vector<160x128xf32>
    %div3A_11 = arith.divf %get3A_9, %div3A_10 : vector<160x128xf32>
    %get3A_12 = arith.constant 0 : index
    %get3A_13 = arith.constant 0 : index
    %get3A_14 = vector.load %arg3[%get3A_12, %get3A_13] : memref<160x128xf32, #tpu.memory_space<vmem>>, vector<160x128xf32>
    %div3A_15 = arith.constant 1.000000e+01 : f32
    %div3A_16 = vector.broadcast %div3A_15 : f32 to vector<160x128xf32>
    %div3A_17 = arith.divf %get3A_14, %div3A_16 : vector<160x128xf32>
    %get3A_18 = arith.constant 0 : index
    %get3A_19 = arith.constant 0 : index
    %get3A_20 = vector.load %arg4[%get3A_18, %get3A_19] : memref<160x128xf32, #tpu.memory_space<vmem>>, vector<160x128xf32>
    %div3A_21 = arith.constant 5.000000e+00 : f32
    %div3A_22 = vector.broadcast %div3A_21 : f32 to vector<160x128xf32>
    %div3A_23 = arith.divf %get3A_20, %div3A_22 : vector<160x128xf32>
    %min3A = arith.constant 4.13516665 : f32
    %min3A_24 = vector.broadcast %min3A : f32 to vector<160x128xf32>
    %min3A_25 = arith.minimumf %div3A_23, %min3A_24 : vector<160x128xf32>
    %get3A_26 = arith.constant 0 : index
    %get3A_27 = arith.constant 0 : index
    %get3A_28 = vector.load %arg5[%get3A_26, %get3A_27] : memref<160x128xf32, #tpu.memory_space<vmem>>, vector<160x128xf32>
    %div3A_29 = arith.constant 5.000000e+00 : f32
    %div3A_30 = vector.broadcast %div3A_29 : f32 to vector<160x128xf32>
    %div3A_31 = arith.divf %get3A_28, %div3A_30 : vector<160x128xf32>
    %min3A_32 = arith.constant 4.13516665 : f32
    %min3A_33 = vector.broadcast %min3A_32 : f32 to vector<160x128xf32>
    %min3A_34 = arith.minimumf %div3A_31, %min3A_33 : vector<160x128xf32>
    %get3A_35 = arith.constant 0 : index
    %get3A_36 = arith.constant 0 : index
    %get3A_37 = vector.load %arg6[%get3A_35, %get3A_36] : memref<160x128xf32, #tpu.memory_space<vmem>>, vector<160x128xf32>
    %get3A_38 = arith.constant 0 : index
    %get3A_39 = arith.constant 0 : index
    %get3A_40 = vector.load %arg7[%get3A_38, %get3A_39] : memref<160x128xf32, #tpu.memory_space<vmem>>, vector<160x128xf32>
    %get3A_41 = arith.constant 0 : index
    %get3A_42 = arith.constant 0 : index
    %get3A_43 = vector.load %arg8[%get3A_41, %get3A_42] : memref<160x128xf32, #tpu.memory_space<vmem>>, vector<160x128xf32>
    %sub3A = arith.subf %get3A_43, %get3A_37 : vector<160x128xf32>
    %add3A = arith.constant 1.000000e+00 : f32
    %add3A_44 = vector.broadcast %add3A : f32 to vector<160x128xf32>
    %add3A_45 = arith.addf %sub3A, %add3A_44 : vector<160x128xf32>
    %get3A_46 = arith.constant 0 : index
    %get3A_47 = arith.constant 0 : index
    %get3A_48 = vector.load %arg9[%get3A_46, %get3A_47] : memref<160x128xf32, #tpu.memory_space<vmem>>, vector<160x128xf32>
    %sub3A_49 = arith.subf %get3A_48, %get3A_40 : vector<160x128xf32>
    %add3A_50 = arith.constant 1.000000e+00 : f32
    %add3A_51 = vector.broadcast %add3A_50 : f32 to vector<160x128xf32>
    %add3A_52 = arith.addf %sub3A_49, %add3A_51 : vector<160x128xf32>
    %mul3A = arith.mulf %div3A_11, %add3A_45 : vector<160x128xf32>
    %mul3A_53 = arith.constant 5.000000e-01 : f32
    %mul3A_54 = vector.broadcast %mul3A_53 : f32 to vector<160x128xf32>
    %mul3A_55 = arith.mulf %mul3A_54, %add3A_45 : vector<160x128xf32>
    %add3A_56 = arith.addf %get3A_37, %mul3A_55 : vector<160x128xf32>
    %add3A_57 = arith.addf %mul3A, %add3A_56 : vector<160x128xf32>
    %mul3A_58 = arith.mulf %div3A_17, %add3A_52 : vector<160x128xf32>
    %mul3A_59 = arith.constant 5.000000e-01 : f32
    %mul3A_60 = vector.broadcast %mul3A_59 : f32 to vector<160x128xf32>
    %mul3A_61 = arith.mulf %mul3A_60, %add3A_52 : vector<160x128xf32>
    %add3A_62 = arith.addf %get3A_40, %mul3A_61 : vector<160x128xf32>
    %add3A_63 = arith.addf %mul3A_58, %add3A_62 : vector<160x128xf32>
    %exp3A = math.exp %min3A_25 : vector<160x128xf32>
    %mul3A_64 = arith.mulf %exp3A, %add3A_45 : vector<160x128xf32>
    %exp3A_65 = math.exp %min3A_34 : vector<160x128xf32>
    %mul3A_66 = arith.mulf %exp3A_65, %add3A_52 : vector<160x128xf32>
    %mul3A_67 = arith.constant 5.000000e-01 : f32
    %mul3A_68 = vector.broadcast %mul3A_67 : f32 to vector<160x128xf32>
    %mul3A_69 = arith.mulf %mul3A_68, %mul3A_64 : vector<160x128xf32>
    %sub3A_70 = arith.subf %add3A_57, %mul3A_69 : vector<160x128xf32>
    %jit3A = arith.constant 0.000000e+00 : f32
    %jit3A_71 = arith.constant 1.332000e+03 : f32
    %max3A = vector.broadcast %jit3A : f32 to vector<160x128xf32>
    %max3A_72 = arith.maximumf %max3A, %sub3A_70 : vector<160x128xf32>
    %min3A_73 = vector.broadcast %jit3A_71 : f32 to vector<160x128xf32>
    %min3A_74 = arith.minimumf %min3A_73, %max3A_72 : vector<160x128xf32>
    %mul3A_75 = arith.constant 5.000000e-01 : f32
    %mul3A_76 = vector.broadcast %mul3A_75 : f32 to vector<160x128xf32>
    %mul3A_77 = arith.mulf %mul3A_76, %mul3A_66 : vector<160x128xf32>
    %sub3A_78 = arith.subf %add3A_63, %mul3A_77 : vector<160x128xf32>
    %jit3A_79 = arith.constant 0.000000e+00 : f32
    %jit3A_80 = arith.constant 7.990000e+02 : f32
    %max3A_81 = vector.broadcast %jit3A_79 : f32 to vector<160x128xf32>
    %max3A_82 = arith.maximumf %max3A_81, %sub3A_78 : vector<160x128xf32>
    %min3A_83 = vector.broadcast %jit3A_80 : f32 to vector<160x128xf32>
    %min3A_84 = arith.minimumf %min3A_83, %max3A_82 : vector<160x128xf32>
    %mul3A_85 = arith.constant 5.000000e-01 : f32
    %mul3A_86 = vector.broadcast %mul3A_85 : f32 to vector<160x128xf32>
    %mul3A_87 = arith.mulf %mul3A_86, %mul3A_64 : vector<160x128xf32>
    %add3A_88 = arith.addf %add3A_57, %mul3A_87 : vector<160x128xf32>
    %sub3A_89 = arith.constant 1.000000e+00 : f32
    %sub3A_90 = vector.broadcast %sub3A_89 : f32 to vector<160x128xf32>
    %sub3A_91 = arith.subf %add3A_88, %sub3A_90 : vector<160x128xf32>
    %jit3A_92 = arith.constant 0.000000e+00 : f32
    %jit3A_93 = arith.constant 1.332000e+03 : f32
    %max3A_94 = vector.broadcast %jit3A_92 : f32 to vector<160x128xf32>
    %max3A_95 = arith.maximumf %max3A_94, %sub3A_91 : vector<160x128xf32>
    %min3A_96 = vector.broadcast %jit3A_93 : f32 to vector<160x128xf32>
    %min3A_97 = arith.minimumf %min3A_96, %max3A_95 : vector<160x128xf32>
    %mul3A_98 = arith.constant 5.000000e-01 : f32
    %mul3A_99 = vector.broadcast %mul3A_98 : f32 to vector<160x128xf32>
    %mul3A_100 = arith.mulf %mul3A_99, %mul3A_66 : vector<160x128xf32>
    %add3A_101 = arith.addf %add3A_63, %mul3A_100 : vector<160x128xf32>
    %sub3A_102 = arith.constant 1.000000e+00 : f32
    %sub3A_103 = vector.broadcast %sub3A_102 : f32 to vector<160x128xf32>
    %sub3A_104 = arith.subf %add3A_101, %sub3A_103 : vector<160x128xf32>
    %jit3A_105 = arith.constant 0.000000e+00 : f32
    %jit3A_106 = arith.constant 7.990000e+02 : f32
    %max3A_107 = vector.broadcast %jit3A_105 : f32 to vector<160x128xf32>
    %max3A_108 = arith.maximumf %max3A_107, %sub3A_104 : vector<160x128xf32>
    %min3A_109 = vector.broadcast %jit3A_106 : f32 to vector<160x128xf32>
    %min3A_110 = arith.minimumf %min3A_109, %max3A_108 : vector<160x128xf32>
    %sub3A_111 = arith.subf %min3A_97, %min3A_74 : vector<160x128xf32>
    %add3A_112 = arith.constant 1.000000e+00 : f32
    %add3A_113 = vector.broadcast %add3A_112 : f32 to vector<160x128xf32>
    %add3A_114 = arith.addf %sub3A_111, %add3A_113 : vector<160x128xf32>
    %sub3A_115 = arith.subf %min3A_110, %min3A_84 : vector<160x128xf32>
    %add3A_116 = arith.constant 1.000000e+00 : f32
    %add3A_117 = vector.broadcast %add3A_116 : f32 to vector<160x128xf32>
    %add3A_118 = arith.addf %sub3A_115, %add3A_117 : vector<160x128xf32>
    %mul3A_119 = arith.mulf %add3A_114, %add3A_118 : vector<160x128xf32>
    %iota3A = tpu.iota {dimensions = array<i32: 0>} : vector<160x128xi32>
    %mul3A_120 = arith.constant 128 : i32
    %mul3A_121 = vector.broadcast %mul3A_120 : i32 to vector<160x128xi32>
    %mul3A_122 = arith.muli %iota3A, %mul3A_121 : vector<160x128xi32>
    %iota3A_123 = tpu.iota {dimensions = array<i32: 1>} : vector<160x128xi32>
    %add3A_124 = arith.addi %mul3A_122, %iota3A_123 : vector<160x128xi32>
    %iota3A_125 = tpu.iota {dimensions = array<i32: 0>} : vector<8x128xi32>
    %mul3A_126 = arith.constant 128 : i32
    %mul3A_127 = vector.broadcast %mul3A_126 : i32 to vector<8x128xi32>
    %mul3A_128 = arith.muli %iota3A_125, %mul3A_127 : vector<8x128xi32>
    %iota3A_129 = tpu.iota {dimensions = array<i32: 1>} : vector<8x128xi32>
    %add3A_130 = arith.addi %mul3A_128, %iota3A_129 : vector<8x128xi32>
    %broadcast_in_dim3A = arith.constant 0.000000e+00 : f32
    %broadcast_in_dim3A_131 = vector.broadcast %broadcast_in_dim3A : f32 to vector<8x128xf32>
    %broadcast_in_dim3A_132 = arith.constant 0 : i32
    %broadcast_in_dim3A_133 = vector.broadcast %broadcast_in_dim3A_132 : i32 to vector<8x128xi32>
    %scan3A = arith.constant 0 : i32
    %scan3A_134 = arith.constant 100 : i32
    %scan3A_135 = arith.addi %scan3A, %scan3A_134 : i32
    %scan3A_136 = arith.constant 1 : i32
    %scan3A_137:6 = scf.for %scan3A_157 = %scan3A to %scan3A_135 step %scan3A_136 iter_args(%scan3A_158 = %broadcast_in_dim3A_131, %scan3A_159 = %broadcast_in_dim3A_133, %scan3A_160 = %broadcast_in_dim3A_131, %scan3A_161 = %broadcast_in_dim3A_131, %scan3A_162 = %broadcast_in_dim3A_131, %scan3A_163 = %broadcast_in_dim3A_131) -> (vector<8x128xf32>, vector<8x128xi32>, vector<8x128xf32>, vector<8x128xf32>, vector<8x128xf32>, vector<8x128xf32>)  : i32 {
      %get3A_164 = arith.constant 0 : index
      %get3A_165 = arith.constant 0 : index
      %get3A_166 = vector.load %arg16[%get3A_164, %get3A_165] : memref<160x128xf32, #tpu.memory_space<vmem>>, vector<160x128xf32>
      %reduce_max3A = vector.shape_cast %get3A_166 : vector<160x128xf32> to vector<1x160x128xf32>
      %reduce_max3A_167 = arith.constant dense<0xFF800000> : vector<1xf32>
      %reduce_max3A_168 = vector.multi_reduction <maximumf>, %reduce_max3A, %reduce_max3A_167 [1, 2] : vector<1x160x128xf32> to vector<1xf32>
      %reduce_max3A_169 = vector.shape_cast %reduce_max3A_168 : vector<1xf32> to vector<1x1x1xf32>
      %reduce_max3A_170 = vector.extract %reduce_max3A_169[0, 0, 0] : f32 from vector<1x1x1xf32>
      %eq3A = vector.broadcast %reduce_max3A_170 : f32 to vector<160x128xf32>
      %eq3A_171 = arith.cmpf oeq, %get3A_166, %eq3A : vector<160x128xf32>
      %jit3A_172 = arith.constant 1073741824 : i32
      %broadcast_in_dim3A_173 = vector.broadcast %jit3A_172 : i32 to vector<160x128xi32>
      %select_n3A = arith.select %eq3A_171, %add3A_124, %broadcast_in_dim3A_173 : vector<160x128xi1>, vector<160x128xi32>
      %reduce_min3A = vector.shape_cast %select_n3A : vector<160x128xi32> to vector<1x160x128xi32>
      %reduce_min3A_174 = arith.constant dense<2147483647> : vector<1xi32>
      %reduce_min3A_175 = vector.multi_reduction <minsi>, %reduce_min3A, %reduce_min3A_174 [1, 2] : vector<1x160x128xi32> to vector<1xi32>
      %reduce_min3A_176 = vector.shape_cast %reduce_min3A_175 : vector<1xi32> to vector<1x1x1xi32>
      %reduce_min3A_177 = vector.extract %reduce_min3A_176[0, 0, 0] : i32 from vector<1x1x1xi32>
      %eq3A_178 = vector.broadcast %reduce_min3A_177 : i32 to vector<160x128xi32>
      %eq3A_179 = arith.cmpi eq, %add3A_124, %eq3A_178 : vector<160x128xi32>
      %jit3A_180 = arith.constant 0.000000e+00 : f32
      %broadcast_in_dim3A_181 = vector.broadcast %jit3A_180 : f32 to vector<160x128xf32>
      %select_n3A_182 = arith.select %eq3A_179, %min3A_74, %broadcast_in_dim3A_181 : vector<160x128xi1>, vector<160x128xf32>
      %reduce_sum3A = vector.shape_cast %select_n3A_182 : vector<160x128xf32> to vector<1x160x128xf32>
      %reduce_sum3A_183 = arith.constant dense<0.000000e+00> : vector<1xf32>
      %reduce_sum3A_184 = vector.multi_reduction <add>, %reduce_sum3A, %reduce_sum3A_183 [1, 2] : vector<1x160x128xf32> to vector<1xf32>
      %reduce_sum3A_185 = vector.shape_cast %reduce_sum3A_184 : vector<1xf32> to vector<1x1x1xf32>
      %reduce_sum3A_186 = vector.extract %reduce_sum3A_185[0, 0, 0] : f32 from vector<1x1x1xf32>
      %jit3A_187 = arith.constant 0.000000e+00 : f32
      %broadcast_in_dim3A_188 = vector.broadcast %jit3A_187 : f32 to vector<160x128xf32>
      %select_n3A_189 = arith.select %eq3A_179, %min3A_84, %broadcast_in_dim3A_188 : vector<160x128xi1>, vector<160x128xf32>
      %reduce_sum3A_190 = vector.shape_cast %select_n3A_189 : vector<160x128xf32> to vector<1x160x128xf32>
      %reduce_sum3A_191 = arith.constant dense<0.000000e+00> : vector<1xf32>
      %reduce_sum3A_192 = vector.multi_reduction <add>, %reduce_sum3A_190, %reduce_sum3A_191 [1, 2] : vector<1x160x128xf32> to vector<1xf32>
      %reduce_sum3A_193 = vector.shape_cast %reduce_sum3A_192 : vector<1xf32> to vector<1x1x1xf32>
      %reduce_sum3A_194 = vector.extract %reduce_sum3A_193[0, 0, 0] : f32 from vector<1x1x1xf32>
      %jit3A_195 = arith.constant 0.000000e+00 : f32
      %broadcast_in_dim3A_196 = vector.broadcast %jit3A_195 : f32 to vector<160x128xf32>
      %select_n3A_197 = arith.select %eq3A_179, %min3A_97, %broadcast_in_dim3A_196 : vector<160x128xi1>, vector<160x128xf32>
      %reduce_sum3A_198 = vector.shape_cast %select_n3A_197 : vector<160x128xf32> to vector<1x160x128xf32>
      %reduce_sum3A_199 = arith.constant dense<0.000000e+00> : vector<1xf32>
      %reduce_sum3A_200 = vector.multi_reduction <add>, %reduce_sum3A_198, %reduce_sum3A_199 [1, 2] : vector<1x160x128xf32> to vector<1xf32>
      %reduce_sum3A_201 = vector.shape_cast %reduce_sum3A_200 : vector<1xf32> to vector<1x1x1xf32>
      %reduce_sum3A_202 = vector.extract %reduce_sum3A_201[0, 0, 0] : f32 from vector<1x1x1xf32>
      %jit3A_203 = arith.constant 0.000000e+00 : f32
      %broadcast_in_dim3A_204 = vector.broadcast %jit3A_203 : f32 to vector<160x128xf32>
      %select_n3A_205 = arith.select %eq3A_179, %min3A_110, %broadcast_in_dim3A_204 : vector<160x128xi1>, vector<160x128xf32>
      %reduce_sum3A_206 = vector.shape_cast %select_n3A_205 : vector<160x128xf32> to vector<1x160x128xf32>
      %reduce_sum3A_207 = arith.constant dense<0.000000e+00> : vector<1xf32>
      %reduce_sum3A_208 = vector.multi_reduction <add>, %reduce_sum3A_206, %reduce_sum3A_207 [1, 2] : vector<1x160x128xf32> to vector<1xf32>
      %reduce_sum3A_209 = vector.shape_cast %reduce_sum3A_208 : vector<1xf32> to vector<1x1x1xf32>
      %reduce_sum3A_210 = vector.extract %reduce_sum3A_209[0, 0, 0] : f32 from vector<1x1x1xf32>
      %jit3A_211 = arith.constant 0 : i32
      %broadcast_in_dim3A_212 = vector.broadcast %jit3A_211 : i32 to vector<160x128xi32>
      %select_n3A_213 = arith.select %eq3A_179, %get3A_6, %broadcast_in_dim3A_212 : vector<160x128xi1>, vector<160x128xi32>
      %reduce_sum3A_214 = vector.shape_cast %select_n3A_213 : vector<160x128xi32> to vector<1x160x128xi32>
      %reduce_sum3A_215 = arith.constant dense<0> : vector<1xi32>
      %reduce_sum3A_216 = vector.multi_reduction <add>, %reduce_sum3A_214, %reduce_sum3A_215 [1, 2] : vector<1x160x128xi32> to vector<1xi32>
      %reduce_sum3A_217 = vector.shape_cast %reduce_sum3A_216 : vector<1xi32> to vector<1x1x1xi32>
      %reduce_sum3A_218 = vector.extract %reduce_sum3A_217[0, 0, 0] : i32 from vector<1x1x1xi32>
      %sub3A_219 = arith.subf %reduce_sum3A_202, %reduce_sum3A_186 : f32
      %add3A_220 = arith.constant 1.000000e+00 : f32
      %add3A_221 = arith.addf %sub3A_219, %add3A_220 : f32
      %sub3A_222 = arith.subf %reduce_sum3A_210, %reduce_sum3A_194 : f32
      %add3A_223 = arith.constant 1.000000e+00 : f32
      %add3A_224 = arith.addf %sub3A_222, %add3A_223 : f32
      %mul3A_225 = arith.mulf %add3A_221, %add3A_224 : f32
      %max3A_226 = vector.broadcast %reduce_sum3A_186 : f32 to vector<160x128xf32>
      %max3A_227 = arith.maximumf %max3A_226, %min3A_74 : vector<160x128xf32>
      %max3A_228 = vector.broadcast %reduce_sum3A_194 : f32 to vector<160x128xf32>
      %max3A_229 = arith.maximumf %max3A_228, %min3A_84 : vector<160x128xf32>
      %min3A_230 = vector.broadcast %reduce_sum3A_202 : f32 to vector<160x128xf32>
      %min3A_231 = arith.minimumf %min3A_230, %min3A_97 : vector<160x128xf32>
      %min3A_232 = vector.broadcast %reduce_sum3A_210 : f32 to vector<160x128xf32>
      %min3A_233 = arith.minimumf %min3A_232, %min3A_110 : vector<160x128xf32>
      %sub3A_234 = arith.subf %min3A_231, %max3A_227 : vector<160x128xf32>
      %add3A_235 = arith.constant 1.000000e+00 : f32
      %add3A_236 = vector.broadcast %add3A_235 : f32 to vector<160x128xf32>
      %add3A_237 = arith.addf %sub3A_234, %add3A_236 : vector<160x128xf32>
      %max3A_238 = arith.constant 0.000000e+00 : f32
      %max3A_239 = vector.broadcast %max3A_238 : f32 to vector<160x128xf32>
      %max3A_240 = arith.maximumf %add3A_237, %max3A_239 : vector<160x128xf32>
      %sub3A_241 = arith.subf %min3A_233, %max3A_229 : vector<160x128xf32>
      %add3A_242 = arith.constant 1.000000e+00 : f32
      %add3A_243 = vector.broadcast %add3A_242 : f32 to vector<160x128xf32>
      %add3A_244 = arith.addf %sub3A_241, %add3A_243 : vector<160x128xf32>
      %max3A_245 = arith.constant 0.000000e+00 : f32
      %max3A_246 = vector.broadcast %max3A_245 : f32 to vector<160x128xf32>
      %max3A_247 = arith.maximumf %add3A_244, %max3A_246 : vector<160x128xf32>
      %mul3A_248 = arith.mulf %max3A_240, %max3A_247 : vector<160x128xf32>
      %add3A_249 = vector.broadcast %mul3A_225 : f32 to vector<160x128xf32>
      %add3A_250 = arith.addf %add3A_249, %mul3A_119 : vector<160x128xf32>
      %sub3A_251 = arith.subf %add3A_250, %mul3A_248 : vector<160x128xf32>
      %div3A_252 = arith.divf %mul3A_248, %sub3A_251 : vector<160x128xf32>
      %gt3A = arith.constant 5.000000e-01 : f32
      %gt3A_253 = vector.broadcast %gt3A : f32 to vector<160x128xf32>
      %gt3A_254 = arith.cmpf ogt, %div3A_252, %gt3A_253 : vector<160x128xf32>
      %or3A = arith.ori %gt3A_254, %eq3A_179 : vector<160x128xi1>
      %jit3A_255 = arith.constant -1.000000e+10 : f32
      %broadcast_in_dim3A_256 = vector.broadcast %jit3A_255 : f32 to vector<160x128xf32>
      %select_n3A_257 = arith.select %or3A, %broadcast_in_dim3A_256, %get3A_166 : vector<160x128xi1>, vector<160x128xf32>
      %swap3A_258 = arith.constant 0 : index
      %swap3A_259 = arith.constant 0 : index
      %swap3A_260 = vector.load %arg16[%swap3A_258, %swap3A_259] : memref<160x128xf32, #tpu.memory_space<vmem>>, vector<160x128xf32>
      tpu.vector_store %arg16[%swap3A_258, %swap3A_259], %select_n3A_257 {strides = array<i32>} : memref<160x128xf32, #tpu.memory_space<vmem>>, vector<160x128xf32>,
      %gt3A_261 = arith.constant 0.000000e+00 : f32
      %gt3A_262 = arith.cmpf ogt, %reduce_max3A_170, %gt3A_261 : f32
      %jit3A_263 = arith.constant 1.000000e+00 : f32
      %jit3A_264 = arith.constant 0.000000e+00 : f32
      %select_n3A_265 = arith.select %gt3A_262, %jit3A_263, %jit3A_264 : f32
      %eq3A_266 = vector.broadcast %scan3A_157 : i32 to vector<8x128xi32>
      %eq3A_267 = arith.cmpi eq, %add3A_130, %eq3A_266 : vector<8x128xi32>
      %jit3A_268 = arith.constant 0.000000e+00 : f32
      %select_n3A_269 = arith.select %gt3A_262, %reduce_max3A_170, %jit3A_268 : f32
      %jit3A_270 = arith.constant 0.000000e+00 : f32
      %broadcast_in_dim3A_271 = vector.broadcast %select_n3A_269 : f32 to vector<8x128xf32>
      %broadcast_in_dim3A_272 = vector.broadcast %jit3A_270 : f32 to vector<8x128xf32>
      %select_n3A_273 = arith.select %eq3A_267, %broadcast_in_dim3A_271, %broadcast_in_dim3A_272 : vector<8x128xi1>, vector<8x128xf32>
      %add3A_274 = arith.addf %scan3A_158, %select_n3A_273 : vector<8x128xf32>
      %jit3A_275 = arith.constant 0 : i32
      %select_n3A_276 = arith.select %gt3A_262, %reduce_sum3A_218, %jit3A_275 : i32
      %jit3A_277 = arith.constant 0 : i32
      %broadcast_in_dim3A_278 = vector.broadcast %select_n3A_276 : i32 to vector<8x128xi32>
      %broadcast_in_dim3A_279 = vector.broadcast %jit3A_277 : i32 to vector<8x128xi32>
      %select_n3A_280 = arith.select %eq3A_267, %broadcast_in_dim3A_278, %broadcast_in_dim3A_279 : vector<8x128xi1>, vector<8x128xi32>
      %add3A_281 = arith.addi %scan3A_159, %select_n3A_280 : vector<8x128xi32>
      %mul3A_282 = arith.mulf %reduce_sum3A_186, %select_n3A_265 : f32
      %jit3A_283 = arith.constant 0.000000e+00 : f32
      %broadcast_in_dim3A_284 = vector.broadcast %mul3A_282 : f32 to vector<8x128xf32>
      %broadcast_in_dim3A_285 = vector.broadcast %jit3A_283 : f32 to vector<8x128xf32>
      %select_n3A_286 = arith.select %eq3A_267, %broadcast_in_dim3A_284, %broadcast_in_dim3A_285 : vector<8x128xi1>, vector<8x128xf32>
      %add3A_287 = arith.addf %scan3A_160, %select_n3A_286 : vector<8x128xf32>
      %mul3A_288 = arith.mulf %reduce_sum3A_194, %select_n3A_265 : f32
      %jit3A_289 = arith.constant 0.000000e+00 : f32
      %broadcast_in_dim3A_290 = vector.broadcast %mul3A_288 : f32 to vector<8x128xf32>
      %broadcast_in_dim3A_291 = vector.broadcast %jit3A_289 : f32 to vector<8x128xf32>
      %select_n3A_292 = arith.select %eq3A_267, %broadcast_in_dim3A_290, %broadcast_in_dim3A_291 : vector<8x128xi1>, vector<8x128xf32>
      %add3A_293 = arith.addf %scan3A_161, %select_n3A_292 : vector<8x128xf32>
      %mul3A_294 = arith.mulf %reduce_sum3A_202, %select_n3A_265 : f32
      %jit3A_295 = arith.constant 0.000000e+00 : f32
      %broadcast_in_dim3A_296 = vector.broadcast %mul3A_294 : f32 to vector<8x128xf32>
      %broadcast_in_dim3A_297 = vector.broadcast %jit3A_295 : f32 to vector<8x128xf32>
      %select_n3A_298 = arith.select %eq3A_267, %broadcast_in_dim3A_296, %broadcast_in_dim3A_297 : vector<8x128xi1>, vector<8x128xf32>
      %add3A_299 = arith.addf %scan3A_162, %select_n3A_298 : vector<8x128xf32>
      %mul3A_300 = arith.mulf %reduce_sum3A_210, %select_n3A_265 : f32
      %jit3A_301 = arith.constant 0.000000e+00 : f32
      %broadcast_in_dim3A_302 = vector.broadcast %mul3A_300 : f32 to vector<8x128xf32>
      %broadcast_in_dim3A_303 = vector.broadcast %jit3A_301 : f32 to vector<8x128xf32>
      %select_n3A_304 = arith.select %eq3A_267, %broadcast_in_dim3A_302, %broadcast_in_dim3A_303 : vector<8x128xi1>, vector<8x128xf32>
      %add3A_305 = arith.addf %scan3A_163, %select_n3A_304 : vector<8x128xf32>
      scf.yield %add3A_274, %add3A_281, %add3A_287, %add3A_293, %add3A_299, %add3A_305 : vector<8x128xf32>, vector<8x128xi32>, vector<8x128xf32>, vector<8x128xf32>, vector<8x128xf32>, vector<8x128xf32>
    }
    %scan3A_138 = arith.constant 100 : i32
    %swap3A_139 = arith.constant 0 : index
    %swap3A_140 = arith.constant 0 : index
    %swap3A_141 = vector.load %arg10[%swap3A_139, %swap3A_140] : memref<8x128xf32, #tpu.memory_space<vmem>>, vector<8x128xf32>
    tpu.vector_store %arg10[%swap3A_139, %swap3A_140], %scan3A_137#0 {strides = array<i32>} : memref<8x128xf32, #tpu.memory_space<vmem>>, vector<8x128xf32>,
    %swap3A_142 = arith.constant 0 : index
    %swap3A_143 = arith.constant 0 : index
    %swap3A_144 = vector.load %arg11[%swap3A_142, %swap3A_143] : memref<8x128xi32, #tpu.memory_space<vmem>>, vector<8x128xi32>
    tpu.vector_store %arg11[%swap3A_142, %swap3A_143], %scan3A_137#1 {strides = array<i32>} : memref<8x128xi32, #tpu.memory_space<vmem>>, vector<8x128xi32>,
    %swap3A_145 = arith.constant 0 : index
    %swap3A_146 = arith.constant 0 : index
    %swap3A_147 = vector.load %arg12[%swap3A_145, %swap3A_146] : memref<8x128xf32, #tpu.memory_space<vmem>>, vector<8x128xf32>
    tpu.vector_store %arg12[%swap3A_145, %swap3A_146], %scan3A_137#2 {strides = array<i32>} : memref<8x128xf32, #tpu.memory_space<vmem>>, vector<8x128xf32>,
    %swap3A_148 = arith.constant 0 : index
    %swap3A_149 = arith.constant 0 : index
    %swap3A_150 = vector.load %arg13[%swap3A_148, %swap3A_149] : memref<8x128xf32, #tpu.memory_space<vmem>>, vector<8x128xf32>
    tpu.vector_store %arg13[%swap3A_148, %swap3A_149], %scan3A_137#3 {strides = array<i32>} : memref<8x128xf32, #tpu.memory_space<vmem>>, vector<8x128xf32>,
    %swap3A_151 = arith.constant 0 : index
    %swap3A_152 = arith.constant 0 : index
    %swap3A_153 = vector.load %arg14[%swap3A_151, %swap3A_152] : memref<8x128xf32, #tpu.memory_space<vmem>>, vector<8x128xf32>
    tpu.vector_store %arg14[%swap3A_151, %swap3A_152], %scan3A_137#4 {strides = array<i32>} : memref<8x128xf32, #tpu.memory_space<vmem>>, vector<8x128xf32>,
    %swap3A_154 = arith.constant 0 : index
    %swap3A_155 = arith.constant 0 : index
    %swap3A_156 = vector.load %arg15[%swap3A_154, %swap3A_155] : memref<8x128xf32, #tpu.memory_space<vmem>>, vector<8x128xf32>
    tpu.vector_store %arg15[%swap3A_154, %swap3A_155], %scan3A_137#5 {strides = array<i32>} : memref<8x128xf32, #tpu.memory_space<vmem>>, vector<8x128xf32>,
    return
  }
}

</mosaic_0001>

<sc_bundles>
// kernel: _run.5.cloned.1.call-start
scs
__scs_entry_jumppad:
0x0: {  	(pc) =	sbr.rel $0x88, $3  }
0x1: {  	(tag) =	ssettag $0x0;
	lr =	simm.s32 $0x1  }
0x2: {  	[smem:$0x3F9E] =	sst lr;
	_ =	strace $0xD0000000  }
0x3: {  	_ = 	snop  }
0x4: {  	_ = 	snop  }
0x5: {  	_ = 	snop  }
0x6: {  	_ = 	snop  }
0x7: {  	_ = 	snop  }
__scs_overlays_trampoline_lowered:
0x8: {  	[smem:$0x3FAD] =	sst s0  }
0x9: {  	[smem:$0x3FAE] =	sst s1  }
0xa: {  	[smem:$0x3FAF] =	sst s2  }
0xb: {  	[smem:$0x3FB0] =	sst s3  }
0xc: {  	[smem:$0x3FB1] =	sst s4  }
0xd: {  	[smem:$0x3FB2] =	sst s5  }
0xe: {  	[smem:$0x3FB3] =	sst s6  }
0xf: {  	[smem:$0x3FB4] =	sst s7  }
0x10: {  	[smem:$0x3FB5] =	sst s8  }
0x11: {  	[smem:$0x3FB6] =	sst s9;
	s0 =	simm.s32 @!p0 $0x0  }
0x12: {  	s1 =	sld [smem:$0x3F9C];
	s0 =	simm.s32 @p0 $0x1  }
0x13: {  	[smem:$0x3FB7] =	sst s0;
	s0 =	simm.s32 @!p1 $0x0  }
0x14: {  	s2 =	sld [smem:$0x3F9B];
	s0 =	simm.s32 @p1 $0x1  }
0x15: {  	[smem:$0x3FB8] =	sst s0;
	s0 =	simm.s32 @!p2 $0x0  }
0x16: {  	s3 =	sld [smem:$0x3FDB];
	s0 =	simm.s32 @p2 $0x1  }
0x17: {  	s4 =	simm.s32 $0x1BF5;
	[smem:$0x3FBA] =	sst s0  }
0x18: {  	s0 =	sld [smem:$0x3F9D];
	_ =	swait.ge [sflag:s4], $0x0  }
0x19: {  	s7 =	sld [smem:$0x3F9E]  }
0x1a: {  	s8 =	sadd.s32 $0xFFFFE003, lr  }
0x1b: {  	s9 =	sadd.s32 $0xFFFFFEF7, lr;
	s5 =	simm.s32 $0xFFFFFFFF;
	p2 =	slt.u32 s8, $0xFFFFF086  }
0x1c: {  	p1 =	slt.u32 s9, $0xF7A;
	s5 =	simm.s32 @!p2 $0x0  }
0x1d: {  	s5 =	simm.s32 @p1 $0x1;
	p0 =	seq.s32 s7, s2  }
0x1e: {  	s7 =	smul.u32 @!p0 $0xF7A, s2;
	p2 =	seq.s32 @!p0 s5, $0x0  }
0x1f: {  	s9 =	smul.u32 $0xF7A, s1;
	s8 =	simm.s32 @!p0 $0x1BF5;
	p2 =	por !p2, p0  }
0x20: {  	[sflag:s8] =	ssyncset.s32 @!p0 $0xFFFFF086;
	s6 =	sadd.s32 @!p0 s3, s7;
	s7 =	simm.s32 @!p0 $0x108  }
0x21: {  	s3 =	sadd.s32 s3, s9;
	s6 =	sadd.s32 @!p0 $0x88, s6;
	s7 =	simm.s32 @p2 $0x1082  }
0x22: {  	[simem:s7], [sflag:s8] =	dma.local @!p0 [hbm:s6], $0xF7A  }
0x23: {  	s9 =	sor.u32 $0xD0000000, s2;
	s6 =	simm.s32 $0x108;
	_ =	swait.ge @!p0 [sflag:s8], $0x0  }
0x24: {  	s3 =	sadd.s32 $0x88, s3;
	s6 =	simm.s32 @!p1 $0x1082;
	[sflag:s4] =	ssyncset.s32 $0xFFFFF086  }
0x25: {  	[simem:s6], [sflag:s4] =	dma.local [hbm:s3], $0xF7A  }
0x26: {  	[smem:$0x3F9E] =	sst s1;
	(tag) =	ssettag s2;
	_ =	strace s9  }
0x27: {  	s1 =	sld [smem:$0x3FAE]  }
0x28: {  	s2 =	sld [smem:$0x3FAF]  }
0x29: {  	s4 =	sld [smem:$0x3FB1]  }
0x2a: {  	p0 =	seq.s32 s5, $0x0;
	s5 =	sld [smem:$0x3FB2]  }
0x2b: {  	s6 =	sld [smem:$0x3FB3]  }
0x2c: {  	s7 =	sld [smem:$0x3FB4]  }
0x2d: {  	s3 =	simm.s32 $0x108;
	s8 =	sld [smem:$0x3FB5]  }
0x2e: {  	s3 =	simm.s32 @!p0 $0x1082;
	s9 =	sld [smem:$0x3FB6]  }
0x2f: {  	lr =	sadd.s32 s0, s3;
	s0 =	sld [smem:$0x3FAD]  }
0x30: {  	s3 =	sld [smem:$0x3FB0]  }
0x31: {  	[smem:$0x3FB9] =	sst s10  }
0x32: {  	s10 =	sld [smem:$0x3FB7];
	_ =	sdelay $0x3  }
0x33: {  	p0 =	seq.s32 s10, $0x1;
	s10 =	sld [smem:$0x3FB9];
	_ =	sdelay $0x3  }
0x34: {  	[smem:$0x3FB9] =	sst s10  }
0x35: {  	s10 =	sld [smem:$0x3FB8];
	_ =	sdelay $0x3  }
0x36: {  	p1 =	seq.s32 s10, $0x1;
	s10 =	sld [smem:$0x3FB9];
	_ =	sdelay $0x3  }
0x37: {  	[smem:$0x3FB9] =	sst s10  }
0x38: {  	s10 =	sld [smem:$0x3FBA]  }
0x39: {  	_ = 	snop;
	(pc) =	sbr.ind lr, $3  }
0x3a: {  	_ = 	snop  }
0x3b: {  	_ = 	snop  }
0x3c: {  	p2 =	seq.s32 s10, $0x1;
	s10 =	sld [smem:$0x3FB9]  }
0x3d: {  	_ =	shalt  }
0x3e: {  	_ =	shalt  }
0x3f: {  	_ =	shalt  }
0x40: {  	_ =	shalt  }
0x41: {  	_ =	shalt  }
0x42: {  	_ =	shalt  }
0x43: {  	_ =	shalt  }
0x44: {  	_ =	shalt  }
0x45: {  	_ =	shalt  }
0x46: {  	_ =	shalt  }
0x47: {  	_ =	shalt  }
0x48: {  	_ =	shalt  }
0x49: {  	_ =	shalt  }
0x4a: {  	_ =	shalt  }
0x4b: {  	_ =	shalt  }
0x4c: {  	_ =	shalt  }
0x4d: {  	_ =	shalt  }
0x4e: {  	_ =	shalt  }
0x4f: {  	_ =	shalt  }
0x50: {  	_ =	shalt  }
0x51: {  	_ =	shalt  }
0x52: {  	_ =	shalt  }
0x53: {  	_ =	shalt  }
0x54: {  	_ =	shalt  }
0x55: {  	_ =	shalt  }
0x56: {  	_ =	shalt  }
0x57: {  	_ =	shalt  }
0x58: {  	_ =	shalt  }
0x59: {  	_ =	shalt  }
0x5a: {  	_ =	shalt  }
0x5b: {  	_ =	shalt  }
0x5c: {  	_ =	shalt  }
0x5d: {  	_ =	shalt  }
0x5e: {  	_ =	shalt  }
0x5f: {  	_ =	shalt  }
0x60: {  	_ =	shalt  }
0x61: {  	_ =	shalt  }
0x62: {  	_ =	shalt  }
0x63: {  	_ =	shalt  }
0x64: {  	_ =	shalt  }
0x65: {  	_ =	shalt  }
0x66: {  	_ =	shalt  }
0x67: {  	_ =	shalt  }
0x68: {  	_ =	shalt  }
0x69: {  	_ =	shalt  }
0x6a: {  	_ =	shalt  }
0x6b: {  	_ =	shalt  }
0x6c: {  	_ =	shalt  }
0x6d: {  	_ =	shalt  }
0x6e: {  	_ =	shalt  }
0x6f: {  	_ =	shalt  }
0x70: {  	_ =	shalt  }
0x71: {  	_ =	shalt  }
0x72: {  	_ =	shalt  }
0x73: {  	_ =	shalt  }
0x74: {  	_ =	shalt  }
0x75: {  	_ =	shalt  }
0x76: {  	_ =	shalt  }
0x77: {  	_ =	shalt  }
0x78: {  	_ =	shalt  }
0x79: {  	_ =	shalt  }
0x7a: {  	_ =	shalt  }
0x7b: {  	_ =	shalt  }
0x7c: {  	_ =	shalt  }
0x7d: {  	_ =	shalt  }
0x7e: {  	_ =	shalt  }
0x7f: {  	_ =	shalt  }
0x80: {  	_ =	shalt  }
0x81: {  	_ =	shalt  }
0x82: {  	_ =	shalt  }
0x83: {  	_ =	shalt  }
0x84: {  	_ =	shalt  }
0x85: {  	_ =	shalt  }
0x86: {  	_ =	shalt  }
0x87: {  	_ =	shalt  }
.Lfunc_end0:
.L_simem_size_0:
called_computation_lowered:
.L_overlay_start_0:
0x88: {  	s2 =	sld [smem:$0x3FD9]  }
0x89: {  	s3 =	sld [smem:$0x3FFE];
	_ =	sdelay $0x1  }
0x8a: {  	s1 =	srdreg.scid  }
0x8b: {  	s0 =	sand.u32 $0x1, s1  }
0x8c: {  	s16 =	sshll.u32 s0, $0xA;
	s2 =	sadd.s32 s3, s2  }
0x8d: {  	s2 =	sadd.s32 s2, s16  }
0x8e: {  	[smem:$0x3FC5] =	sst s2  }
0x8f: {  	_ = 	snop  }
0x90: {  	(tm) =	ssettm $0x1  }
0x91: {  	s17 =	sld [smem:$0x3FFB];
	_ =	sdelay $0x3  }
0x92: {  	_ =	strace s17  }
0x93: {  	s2 =	sld [smem:$0x3FFC];
	_ =	sdelay $0x3  }
0x94: {  	_ =	strace s2  }
0x95: {  	s2 =	sld [smem:$0x3FFD];
	_ =	sdelay $0x3  }
0x96: {  	_ =	strace s2  }
0x97: {  	_ =	strace $0x8FFFFFFF  }
0x98: {  	s18 =	sld [smem:$0x3FDB];
	_ =	sdelay $0x1  }
0x99: {  	s19 =	simm.s32 $_scs_section_size  }
0x9a: {  	s4 =	simm.s32 $_size__tile_overlayer_lowered;
	s5 =	simm.s32 $_tile_overlayer_lowered  }
0x9b: {  	s22 =	simm.s32 $0x1BFF;
	s21 =	sshll.u32 s5, $0x1;
	s2 =	sadd.s32 s19, s18  }
0x9c: {  	s6 =	simm.s32 $0x0;
	s20 =	sshll.u32 s4, $0x1;
	s4 =	sadd.s32 s21, s2  }
0x9d: {  	[timem:s6], [sflag:s22] =	dma.local [hbm:s4], s20  }
0x9e: {  	_ =	swait.ge [sflag:s22], s20  }
0x9f: {  	s3 =	ssub.s32 $0x0, s20;
	[sflag:s22] =	ssyncset.done $0x0  }
0xa0: {  	[sflag:s22] =	ssyncadd.s32 s3;
	_ =	sdelay $0x1  }
0xa1: {  	s23 =	simm.s32 $0x1B8B  }
0xa2: {  	_ =	swait.ge [sflag:s23], $0x1  }
0xa3: {  	[sflag:s23] =	ssyncset.done $0x0  }
0xa4: {  	s25 =	simm.s32 $0x1B8E;
	s24 =	sld [smem:$0x3FFE];
	[sflag:s23] =	ssyncadd.s32 $0xFFFFFFFF  }
0xa5: {  	s26 =	simm.s32 $execute0_lowered;
	[smem:$0x3FD2] =	sst s25  }
0xa6: {  	s4 =	sshll.u32 s26, $0x1;
	_ =	strace $0x80000046;
	[dreg:$0x1] =	wrdreg $0xFFFFFFFF  }
0xa7: {  	s28 =	simm.s32 $_size_execute0_lowered;
	s2 =	sadd.s32 s2, s4;
	[dreg:$0x0] =	wrdreg $0x0  }
0xa8: {  	s4 =	sshll.u32 s28, $0x1;
	[dreg:$0x2] =	wrdreg s2  }
0xa9: {  	[dreg:$0x3] =	wrdreg s4  }
0xaa: {  	[dreg:$0x4] =	wrdreg $0xC0  }
0xab: {  	_ =	task [dreg:s6], $0x5FFFF  }
0xac: {  	[dreg:$0x1] =	wrdreg $0xFFFFFFFF  }
0xad: {  	[dreg:$0x0] =	wrdreg $0x60  }
0xae: {  	[dreg:$0x2] =	wrdreg s24  }
0xaf: {  	[dreg:$0x3] =	wrdreg $0x9  }
0xb0: {  	_ =	task.clear_ibuf [dreg:s6], $0x4FFFF;
	_ =	strace $0x90000046  }
0xb1: {  	s29 =	simm.s32 $0x9;
	_ =	strace $0x80000048  }
0xb2: {  	_ =	swait.ge [sflag:s29], $0x1  }
0xb3: {  	[sflag:s29] =	ssyncadd.s32 $0xFFFFFFFF  }
0xb4: {  	_ =	strace $0x90000048  }
0xb5: {  	_ =	sfence  }
0xb6: {  	s30 =	sld [smem:$0x0];
	_ =	sdelay $0x2  }
0xb7: {  	s31 =	sshll.u32 s1, $0xD;
	s1 =	sshrl.u32 s1, $0x2  }
0xb8: {  	s3 =	sand.u32 $0x4000, s31;
	s1 =	sadd.s32 s1, s30  }
0xb9: {  	s0 =	sor.u32 s3, s0;
	s1 =	sshll.u32 s1, $0x11  }
0xba: {  	s0 =	sor.u32 s1, s0  }
0xbb: {  	s0 =	sadd.s32 $0x8F2B, s0  }
0xbc: {  	[sflag:s0] =	ssyncadd.remote.s32 $0x1  }
0xbd: {  	_ =	sfence.sel $0xFFFF  }
0xbe: {  	[dreg:$0x0] =	wrdreg $0xFFFFFFFF;
	(pc) =	sbr.abs _section_cstart, $3  }
0xbf: {  	[dreg:$0x1] =	wrdreg $0xFFFFFFFF  }
0xc0: {  	_ =	task.clear_ibuf [dreg:s6], $0x2FFFF;
	_ =	strace $0x9FFFFFFF  }
0xc1: {  	(tm) =	ssettm $0x7FFFFFFF  }
tec
execute0_lowered:
.L_overlay_start_1:
0x0: {  	(tag) =	ssettag $0x1  }
0x1: {  	s1 =	srdreg.scid;
	s0 =	stileid.u32  }
0x2: {  	s14 =	sand.u32 $0x1, s1;
	s31 =	sshll.u32 s0, $0x1  }
0x3: {  	s1 =	sor.u32 s14, s31  }
0x4: {  	s3 =	smul.u32 $0x50, s1  }
0x5: {  	s6 =	rddreg [dreg:$0x0];
	s2 =	simm.s32 $0x0  }
0x6: {  	s4 =	simm.s32 $0x2;
	[smem:$0x7FF] =	sst s2;
	s3 =	sadd.s32 s6, s3  }
0x7: {  	s1 =	rddreg [dreg:$0x1];
	_ =	strace $0x80000047;
	s5 =	sadd.s32 $0x190000, s3  }
0x8: {  	[tilespmem:s2], [sflag:$0x2] =	stream.linear.gather [hbm4b:s5+s2], $0x280, $0x38;
	[tilespmem:$0x500] =	vst v63  }
0x9: {  	_ =	swait.ge [sflag:s4], $0x280  }
0xa: {  	s7 =	simm.s32 $0x280;
	[sflag:s4] =	ssyncset.done $0x0  }
0xb: {  	s8 =	simm.s32 $0x1;
	s6 =	sadd.s32 $0x190A00, s6;
	[sflag:s4] =	ssyncadd.s32 $0xFFFFFD80  }
0xc: {  	[tilespmem:s7], [sflag:$0x1] =	stream.indirect.gather [hbm4b:s6+s7], $0x1, s2, s7, $0xb8;
	[tilespmem:$0x500] =	vst v63  }
0xd: {  	_ =	swait.ge [sflag:s8], $0x280  }
0xe: {  	[sflag:s8] =	ssyncset.done $0x0  }
0xf: {  	s9 =	sadd.s32 $0x1E00, s3;
	[sflag:s8] =	ssyncadd.s32 $0xFFFFFD80  }
0x10: {  	[hbm4b:s9+s2] =	stream.linear.scatter [tilespmem:s7], [sflag:$0x2], $0x280, $0x38;
	[tilespmem:$0x500] =	vst v63  }
0x11: {  	_ =	swait.ge [sflag:s4], $0x280  }
0x12: {  	[sflag:s4] =	ssyncset.done $0x0  }
0x13: {  	[sflag:s4] =	ssyncadd.s32 $0xFFFFFD80  }
0x14: {  	[tilespmem:s2], [sflag:$0x2] =	stream.linear.gather [hbm4b:s3+s2], $0x280, $0x38;
	[tilespmem:$0x500] =	vst v63  }
0x15: {  	_ =	swait.ge [sflag:s4], $0x280  }
0x16: {  	[sflag:s4] =	ssyncset.done $0x0  }
0x17: {  	[sflag:s4] =	ssyncadd.s32 $0xFFFFFD80  }
0x18: {  	[tilespmem:s7], [sflag:$0x1] =	stream.indirect.gather [hbm4b:s6+s7], $0x1, s2, s7, $0xb8;
	[tilespmem:$0x500] =	vst v63  }
0x19: {  	_ =	swait.ge [sflag:s8], $0x280  }
0x1a: {  	[sflag:s8] =	ssyncset.done $0x0  }
0x1b: {  	s10 =	sadd.s32 $0x2800, s3;
	[sflag:s8] =	ssyncadd.s32 $0xFFFFFD80  }
0x1c: {  	[hbm4b:s10+s2] =	stream.linear.scatter [tilespmem:s7], [sflag:$0x2], $0x280, $0x38;
	[tilespmem:$0x500] =	vst v63  }
0x1d: {  	_ =	swait.ge [sflag:s4], $0x280  }
0x1e: {  	[sflag:s4] =	ssyncset.done $0x0  }
0x1f: {  	s11 =	sadd.s32 $0xA00, s3;
	[sflag:s4] =	ssyncadd.s32 $0xFFFFFD80  }
0x20: {  	[tilespmem:s2], [sflag:$0x2] =	stream.linear.gather [hbm4b:s11+s2], $0x280, $0x38;
	[tilespmem:$0x500] =	vst v63  }
0x21: {  	_ =	swait.ge [sflag:s4], $0x280  }
0x22: {  	[sflag:s4] =	ssyncset.done $0x0  }
0x23: {  	[sflag:s4] =	ssyncadd.s32 $0xFFFFFD80  }
0x24: {  	[tilespmem:s7], [sflag:$0x1] =	stream.indirect.gather [hbm4b:s6+s7], $0x1, s2, s7, $0xb8;
	[tilespmem:$0x500] =	vst v63  }
0x25: {  	_ =	swait.ge [sflag:s8], $0x280  }
0x26: {  	[sflag:s8] =	ssyncset.done $0x0  }
0x27: {  	s12 =	sadd.s32 $0x3200, s3;
	[sflag:s8] =	ssyncadd.s32 $0xFFFFFD80  }
0x28: {  	[hbm4b:s12+s2] =	stream.linear.scatter [tilespmem:s7], [sflag:$0x2], $0x280, $0x38;
	[tilespmem:$0x500] =	vst v63  }
0x29: {  	_ =	swait.ge [sflag:s4], $0x280  }
0x2a: {  	[sflag:s4] =	ssyncset.done $0x0  }
0x2b: {  	s14 =	ssub.s32 $0x2, s14;
	s13 =	sadd.s32 $0x1400, s3;
	[sflag:s4] =	ssyncadd.s32 $0xFFFFFD80  }
0x2c: {  	[tilespmem:s2], [sflag:$0x2] =	stream.linear.gather [hbm4b:s13+s2], $0x280, $0x38;
	[tilespmem:$0x500] =	vst v63  }
0x2d: {  	s15 =	sshrl.u32 s14, $0x1;
	_ =	swait.ge [sflag:s4], $0x280  }
0x2e: {  	s15 =	ssub.s32 s14, s15;
	[sflag:s4] =	ssyncset.done $0x0  }
0x2f: {  	s15 =	smax.u32 s15, $0x1;
	[sflag:s4] =	ssyncadd.s32 $0xFFFFFD80  }
0x30: {  	[tilespmem:s7], [sflag:$0x1] =	stream.indirect.gather [hbm4b:s6+s7], $0x1, s2, s7, $0xb8;
	[tilespmem:$0x500] =	vst v63  }
0x31: {  	p0 =	sne.s32 s15, $0x1;
	_ =	swait.ge [sflag:s8], $0x280  }
.Ltmp0:
0x32: {  	[sflag:s8] =	ssyncset.done $0x0;
	(pc) =	sbr.rel @!p0 .LBB2_2-.Ltmp0, $4  }
0x33: {  	s14 =	sadd.s32 $0x3C00, s3;
	[sflag:s8] =	ssyncadd.s32 $0xFFFFFD80  }
0x34: {  	[hbm4b:s14+s2] =	stream.linear.scatter [tilespmem:s7], [sflag:$0x2], $0x280, $0x38;
	[tilespmem:$0x500] =	vst v63  }
0x35: {  	_ =	swait.ge [sflag:s4], $0x280  }
0x36: {  	s15 =	sadd.s32 $0xFFFFFFFF, s15;
	[sflag:s4] =	ssyncset.done $0x0  }
.LBB2_1:
0x37: {  	p0 =	sne.s32 s15, $0x1;
	s15 =	sadd.s32 $0xFFFFFFFF, s15;
	[sflag:s4] =	ssyncadd.s32 $0xFFFFFD80  }
0x38: {  	[tilespmem:s2], [sflag:$0x2] =	stream.linear.gather [hbm4b:s5+s2], $0x280, $0x38;
	[tilespmem:$0x500] =	vst v63  }
0x39: {  	_ =	swait.ge [sflag:s4], $0x280  }
0x3a: {  	[sflag:s4] =	ssyncset.done $0x0  }
0x3b: {  	[sflag:s4] =	ssyncadd.s32 $0xFFFFFD80  }
0x3c: {  	[tilespmem:s7], [sflag:$0x1] =	stream.indirect.gather [hbm4b:s6+s7], $0x1, s2, s7, $0xb8;
	[tilespmem:$0x500] =	vst v63  }
0x3d: {  	_ =	swait.ge [sflag:s8], $0x280  }
0x3e: {  	[sflag:s8] =	ssyncset.done $0x0  }
0x3f: {  	[sflag:s8] =	ssyncadd.s32 $0xFFFFFD80  }
0x40: {  	[hbm4b:s9+s2] =	stream.linear.scatter [tilespmem:s7], [sflag:$0x2], $0x280, $0x38;
	[tilespmem:$0x500] =	vst v63  }
0x41: {  	_ =	swait.ge [sflag:s4], $0x280  }
0x42: {  	[sflag:s4] =	ssyncset.done $0x0  }
0x43: {  	[sflag:s4] =	ssyncadd.s32 $0xFFFFFD80  }
0x44: {  	[tilespmem:s2], [sflag:$0x2] =	stream.linear.gather [hbm4b:s3+s2], $0x280, $0x38;
	[tilespmem:$0x500] =	vst v63  }
0x45: {  	_ =	swait.ge [sflag:s4], $0x280  }
0x46: {  	[sflag:s4] =	ssyncset.done $0x0  }
0x47: {  	[sflag:s4] =	ssyncadd.s32 $0xFFFFFD80  }
0x48: {  	[tilespmem:s7], [sflag:$0x1] =	stream.indirect.gather [hbm4b:s6+s7], $0x1, s2, s7, $0xb8;
	[tilespmem:$0x500] =	vst v63  }
0x49: {  	_ =	swait.ge [sflag:s8], $0x280  }
0x4a: {  	[sflag:s8] =	ssyncset.done $0x0  }
0x4b: {  	[sflag:s8] =	ssyncadd.s32 $0xFFFFFD80  }
0x4c: {  	[hbm4b:s10+s2] =	stream.linear.scatter [tilespmem:s7], [sflag:$0x2], $0x280, $0x38;
	[tilespmem:$0x500] =	vst v63  }
0x4d: {  	_ =	swait.ge [sflag:s4], $0x280  }
0x4e: {  	[sflag:s4] =	ssyncset.done $0x0  }
0x4f: {  	[sflag:s4] =	ssyncadd.s32 $0xFFFFFD80  }
0x50: {  	[tilespmem:s2], [sflag:$0x2] =	stream.linear.gather [hbm4b:s11+s2], $0x280, $0x38;
	[tilespmem:$0x500] =	vst v63  }
0x51: {  	_ =	swait.ge [sflag:s4], $0x280  }
0x52: {  	[sflag:s4] =	ssyncset.done $0x0  }
0x53: {  	[sflag:s4] =	ssyncadd.s32 $0xFFFFFD80  }
0x54: {  	[tilespmem:s7], [sflag:$0x1] =	stream.indirect.gather [hbm4b:s6+s7], $0x1, s2, s7, $0xb8;
	[tilespmem:$0x500] =	vst v63  }
0x55: {  	_ =	swait.ge [sflag:s8], $0x280  }
0x56: {  	[sflag:s8] =	ssyncset.done $0x0  }
0x57: {  	[sflag:s8] =	ssyncadd.s32 $0xFFFFFD80  }
0x58: {  	[hbm4b:s12+s2] =	stream.linear.scatter [tilespmem:s7], [sflag:$0x2], $0x280, $0x38;
	[tilespmem:$0x500] =	vst v63  }
0x59: {  	_ =	swait.ge [sflag:s4], $0x280  }
0x5a: {  	[sflag:s4] =	ssyncset.done $0x0  }
0x5b: {  	[sflag:s4] =	ssyncadd.s32 $0xFFFFFD80  }
0x5c: {  	[tilespmem:s2], [sflag:$0x2] =	stream.linear.gather [hbm4b:s13+s2], $0x280, $0x38;
	[tilespmem:$0x500] =	vst v63  }
0x5d: {  	_ =	swait.ge [sflag:s4], $0x280  }
0x5e: {  	[sflag:s4] =	ssyncset.done $0x0  }
0x5f: {  	[sflag:s4] =	ssyncadd.s32 $0xFFFFFD80  }
0x60: {  	[tilespmem:s7], [sflag:$0x1] =	stream.indirect.gather [hbm4b:s6+s7], $0x1, s2, s7, $0xb8;
	[tilespmem:$0x500] =	vst v63  }
0x61: {  	_ =	swait.ge [sflag:s8], $0x280  }
.Ltmp1:
0x62: {  	[sflag:s8] =	ssyncset.done $0x0;
	(pc) =	sbr.rel @p0 .LBB2_1-.Ltmp1, $4  }
0x63: {  	[sflag:s8] =	ssyncadd.s32 $0xFFFFFD80  }
0x64: {  	[hbm4b:s14+s2] =	stream.linear.scatter [tilespmem:s7], [sflag:$0x2], $0x280, $0x38;
	[tilespmem:$0x500] =	vst v63  }
0x65: {  	_ =	swait.ge [sflag:s4], $0x280  }
0x66: {  	[sflag:s4] =	ssyncset.done $0x0  }
.LBB2_2:
0x67: {  	[sflag:s4] =	ssyncadd.s32 $0xFFFFFD80  }
0x68: {  	_ =	sfence.sel $0x180000  }
0x69: {  	[bflag:$0x0] =	sbarrier.arrive $0xFFFF  }
0x6a: {  	p0 =	sne.s32 s0, $0x0;
	_ =	strace $0x90000047  }
0x6b: {  	s0 =	sadd.s32 @!p0 $0x100000, s1;
	[bflag:$0x2] =	sbarrier.arrive $0xFFFF  }
0x6c: {  	[sflag:s0] =	ssyncadd.tile.s32 @!p0 $0x1;
	_ =	shalt  }
.Lfunc_end2:
_tile_overlayer_lowered:
.L_overlay_start_2:
0x6d: {  	(tag) =	ssettag $0x2  }
0x6e: {  	s0 =	rddreg [dreg:$0x0];
	s2 =	stileid.u32  }
0x6f: {  	s1 =	rddreg [dreg:$0x1];
	p0 =	sne.s32 s2, $0x0  }
0x70: {  	s3 =	rddreg [dreg:$0x2];
	[bflag:$0x3] =	sbarrier.arrive $0xFFFF;
	s2 =	simm.s32 @!p0 $0x1C02  }
0x71: {  	[timem:s3], [sflag:s2] =	dma.local @!p0 [hbm:s0], s1  }
0x72: {  	s0 =	simm.s32 @!p0 $0x2  }
0x73: {  	_ =	swait.ge @!p0 [sflag:s0], s1  }
0x74: {  	s1 =	ssub.s32 @!p0 $0x0, s1;
	[sflag:s0] =	ssyncset.done @!p0 $0x0  }
0x75: {  	[sflag:s0] =	ssyncadd.s32 @!p0 s1  }
0x76: {  	[bflag:$0x3] =	sbarrier.arrive $0xFFFF  }
0x77: {  	_ =	shalt  }

</sc_bundles>
